<compile_context>
chip_gen: v7x
topology: tpu7x:2x2x1
jax: 0.10.2.dev20260603
libtpu: 0.0.44.dev20260713+nightly
codegen_flags: <defaults>
</compile_context>

<pallas_src>
import functools

import jax
import jax.numpy as jnp
from jax import lax
from jax.experimental import pallas as pl
from jax.experimental.pallas import tpu as pltpu
from jax.experimental.pallas import tpu_sc as plsc

_NC = 2
_NS = 16
_NW = _NC * _NS

_D = 4096
_K = 8
_NB = 2


def _sc_gather(table, ids):
    n = ids.shape[0]
    b_per_w = n // _NW
    n_chunks = b_per_w // _K
    n_pairs = n_chunks // _NB
    assert n_chunks * _K == b_per_w and n_pairs * _NB == n_chunks

    ids16 = ids.reshape(n // 16, 16)

    mesh = plsc.VectorSubcoreMesh(
        core_axis_name="c", subcore_axis_name="s",
        num_cores=_NC, num_subcores=_NS,
    )

    @functools.partial(
        pl.kernel,
        mesh=mesh,
        out_type=jax.ShapeDtypeStruct((n // _K, _K, _D), jnp.float32),
        scratch_types=[
            pltpu.VMEM((n_pairs, 16), jnp.int32),
            pltpu.VMEM((_NB, _K, _D), jnp.float32),
            pltpu.VMEM_SHARED(table.shape, jnp.float32),
            [pltpu.SemaphoreType.DMA] * _NB,
            [pltpu.SemaphoreType.DMA] * _NB,
        ],
    )
    def k(table_hbm, idx_hbm, out_hbm, idx_v, rows_v, tab_sp, gsems, ssems):
        sid = lax.axis_index("s")
        wid = sid * _NC + lax.axis_index("c")
        chunk0 = wid * n_chunks

        pltpu.sync_copy(idx_hbm.at[pl.ds(wid * n_pairs, n_pairs)], idx_v)

        @pl.when(sid == 0)
        def _():
            pltpu.sync_copy(table_hbm, tab_sp)

        plsc.subcore_barrier()

        def g_start(vec, h):
            for r in range(_K):
                pltpu.async_copy(
                    tab_sp.at[vec[h * _K + r]], rows_v.at[h, r], gsems[h]
                )

        def s_start(c, h):
            pltpu.async_copy(rows_v.at[h], out_hbm.at[chunk0 + c], ssems[h])

        def g_wait(h):
            pltpu.make_async_copy(
                table_hbm.at[pl.ds(0, _K)], rows_v.at[h], gsems[h]
            ).wait()

        def s_wait(c, h):
            pltpu.make_async_copy(
                rows_v.at[h], out_hbm.at[chunk0 + c], ssems[h]
            ).wait()

        vec0 = idx_v[0]
        for h in range(_NB):
            g_start(vec0, h)

        def pair(p, _):
            c0 = p * _NB
            for h in range(_NB):
                g_wait(h)
                s_start(c0 + h, h)
            vec_n = idx_v[lax.min(p + 1, n_pairs - 1)]
            for h in range(_NB):
                s_wait(c0 + h, h)

                @pl.when(p + 1 < n_pairs)
                def _():
                    g_start(vec_n, h)

            return 0

        lax.fori_loop(0, n_pairs, pair, 0)

    return k(table, ids16)


def kernel(input_ids, embed_table):
    b, s = input_ids.shape
    ids_sm = input_ids.astype(jnp.int32).T.reshape(-1)
    v = embed_table.shape[0]
    v_pad = (-v) % 8
    if v_pad:
        embed_table = jnp.pad(embed_table, ((0, v_pad), (0, 0)))
    rows = _sc_gather(embed_table, ids_sm)
    hidden_state = rows.reshape(s, b, _D).transpose(1, 0, 2)
    attention_mask = jnp.ones((b, s), dtype=jnp.float32)
    return hidden_state, attention_mask

# --- scband reference (transcript-rebuilt; emitter-appended) ---
"""Pipeline reference for scband-fake-text-encoder-83124797047468 (READ-ONLY COPY).

The authoritative reference and input builder live on the scoring server;
editing this copy changes nothing except your own understanding.
"""

import jax, jax.numpy as jnp
import numpy as np

VOCAB = 100
HIDDEN_DIM = 4096
BATCH = 1024
SEQ = 20

def setup_inputs(seed: int = 0) -> dict:
    key = jax.random.key(seed)
    k_ids, k_tab = jax.random.split(key)
    input_ids = jax.random.randint(k_ids, (BATCH, SEQ), 0, VOCAB, dtype=jnp.int64 if jax.config.jax_enable_x64 else jnp.int32)
    embed_table = jax.random.normal(k_tab, (VOCAB, HIDDEN_DIM), dtype=jnp.float32)
    return {"input_ids": input_ids, "embed_table": embed_table}

def reference(input_ids, embed_table):
    # Faithful translation of FakeTextEncoder.encode:
    # out = self.embed(input_ids); mask = ones(out.shape[0], out.shape[1])
    hidden_state = jnp.take(embed_table, input_ids, axis=0)
    attention_mask = jnp.ones((hidden_state.shape[0], hidden_state.shape[1]), dtype=jnp.float32)
    return hidden_state, attention_mask

if __name__ == "__main__":
    import jax
    _d = setup_inputs()
    print(jax.jit(kernel)(*tuple(_d.values())))

</pallas_src>

<mosaic_0001>
#map = affine_map<(d0, d1) -> (0, 0)>
#map1 = affine_map<(d0, d1) -> (0, 0, 0)>
module attributes {stable_mosaic.version = 14 : i64} {
  func.func @k(%arg0: i32, %arg1: i32, %arg2: memref<104x4096xf32, #tpu.memory_space<hbm>>, %arg3: memref<1280x16xi32, #tpu.memory_space<hbm>>, %arg4: memref<2560x8x4096xf32, #tpu.memory_space<hbm>>, %arg5: memref<40x16xi32, #tpu.memory_space<vmem>>, %arg6: memref<2x8x4096xf32, #tpu.memory_space<vmem>>, %arg7: memref<104x4096xf32, #tpu.memory_space<vmem_shared>>, %arg8: memref<!tpu.dma_semaphore, #tpu.memory_space<semaphore_mem>>, %arg9: memref<!tpu.dma_semaphore, #tpu.memory_space<semaphore_mem>>, %arg10: memref<!tpu.dma_semaphore, #tpu.memory_space<semaphore_mem>>, %arg11: memref<!tpu.dma_semaphore, #tpu.memory_space<semaphore_mem>>) attributes {dimension_semantics = [#tpu.dimension_semantics<core_parallel>, #tpu.dimension_semantics<subcore_parallel>], iteration_bounds = array<i64: 2, 16>, scalar_prefetch = 0 : i64, scratch_operands = 7 : i64, tpu.core_type = #tpu.core_type<sc_vector_subcore>, window_params = [{transform_indices = #map}, {transform_indices = #map}, {transform_indices = #map1}]} {
    %mul3A = arith.constant 2 : i32
    %mul3A_0 = arith.muli %arg1, %mul3A : i32
    %add3A = arith.addi %mul3A_0, %arg0 : i32
    %mul3A_1 = arith.constant 80 : i32
    %mul3A_2 = arith.muli %add3A, %mul3A_1 : i32
    %mul3A_3 = arith.constant 40 : i32
    %mul3A_4 = arith.muli %add3A, %mul3A_3 : i32
    "tpu.region"() ({
      %run_scoped3A = tpu.sem_alloc : memref<!tpu.dma_semaphore, #tpu.memory_space<semaphore_mem>>
      %dma_start3A_270 = arith.constant 0 : i32
      %dma_start3A_271 = tpu.memref_slice %arg3[%mul3A_4, %dma_start3A_270] : memref<1280x16xi32, #tpu.memory_space<hbm>> -> memref<40x16xi32, #tpu.memory_space<hbm>>
      %dma_start3A_272 = arith.constant 0 : i32
      %dma_start3A_273 = tpu.memref_slice %arg3[%mul3A_4, %dma_start3A_272] : memref<1280x16xi32, #tpu.memory_space<hbm>> -> memref<40x16xi32, #tpu.memory_space<hbm>>
      tpu.enqueue_dma source(%dma_start3A_273 : memref<40x16xi32, #tpu.memory_space<hbm>>) target(%arg5 : memref<40x16xi32, #tpu.memory_space<vmem>>) target_semaphore(%run_scoped3A : memref<!tpu.dma_semaphore, #tpu.memory_space<semaphore_mem>>)
      %dma_wait3A = arith.constant 0 : i32
      %dma_wait3A_274 = tpu.memref_slice %arg3[%mul3A_4, %dma_wait3A] : memref<1280x16xi32, #tpu.memory_space<hbm>> -> memref<40x16xi32, #tpu.memory_space<hbm>>
      %dma_wait3A_275 = arith.constant 0 : i32
      %dma_wait3A_276 = tpu.memref_slice %arg3[%mul3A_4, %dma_wait3A_275] : memref<1280x16xi32, #tpu.memory_space<hbm>> -> memref<40x16xi32, #tpu.memory_space<hbm>>
      tpu.wait_dma2 semaphore(%run_scoped3A : memref<!tpu.dma_semaphore, #tpu.memory_space<semaphore_mem>>) src(%dma_wait3A_276 : memref<40x16xi32, #tpu.memory_space<hbm>>) dst(%arg5 : memref<40x16xi32, #tpu.memory_space<vmem>>)
      tpu.yield
    }) : () -> ()
    %eq3A = arith.constant 0 : i32
    %eq3A_5 = arith.cmpi eq, %arg1, %eq3A : i32
    %convert_element_type3A = arith.extui %eq3A_5 : i1 to i32
    %cond3A = arith.constant 0 : i32
    %cond3A_6 = arith.cmpi ne, %convert_element_type3A, %cond3A : i32
    scf.if %cond3A_6 {
      "tpu.region"() ({
        %run_scoped3A = tpu.sem_alloc : memref<!tpu.dma_semaphore, #tpu.memory_space<semaphore_mem>>
        tpu.enqueue_dma source(%arg2 : memref<104x4096xf32, #tpu.memory_space<hbm>>) target(%arg7 : memref<104x4096xf32, #tpu.memory_space<vmem_shared>>) target_semaphore(%run_scoped3A : memref<!tpu.dma_semaphore, #tpu.memory_space<semaphore_mem>>)
        tpu.wait_dma2 semaphore(%run_scoped3A : memref<!tpu.dma_semaphore, #tpu.memory_space<semaphore_mem>>) src(%arg2 : memref<104x4096xf32, #tpu.memory_space<hbm>>) dst(%arg7 : memref<104x4096xf32, #tpu.memory_space<vmem_shared>>)
        tpu.yield
      }) : () -> ()
    } else {
    }
    %barrier3A = arith.constant 0 : index
    tpu.barrier barrier_id(%barrier3A)
    %get3A = arith.constant 0 : i32
    %get3A_7 = arith.index_cast %get3A : i32 to index
    %get3A_8 = arith.constant 0 : index
    %get3A_9 = tpu.vector_load %arg5[%get3A_7, %get3A_8] {strides = array<i32>} : memref<40x16xi32, #tpu.memory_space<vmem>>, vector<1x16xi32>,
    %get3A_10 = vector.shape_cast %get3A_9 : vector<1x16xi32> to vector<16xi32>
    %slice3A = vector.extract_strided_slice %get3A_10 {offsets = [0], sizes = [1], strides = [1]} : vector<16xi32> to vector<1xi32>
    %squeeze3A = vector.extract %slice3A[0] : i32 from vector<1xi32>
    %dma_start3A = arith.constant 0 : i32
    %dma_start3A_11 = arith.constant 0 : i32
    %dma_start3A_12 = arith.constant 0 : i32
    %dma_start3A_13 = tpu.memref_slice %arg6[%dma_start3A, %dma_start3A_11, %dma_start3A_12] : memref<2x8x4096xf32, #tpu.memory_space<vmem>> -> memref<1x1x4096xf32, #tpu.memory_space<vmem>>
    %dma_start3A_14 = tpu.memref_squeeze %dma_start3A_13 : memref<1x1x4096xf32, #tpu.memory_space<vmem>> -> memref<4096xf32, #tpu.memory_space<vmem>>
    %dma_start3A_15 = arith.constant 0 : i32
    %dma_start3A_16 = tpu.memref_slice %arg7[%squeeze3A, %dma_start3A_15] : memref<104x4096xf32, #tpu.memory_space<vmem_shared>> -> memref<1x4096xf32, #tpu.memory_space<vmem_shared>>
    %dma_start3A_17 = tpu.memref_squeeze %dma_start3A_16 : memref<1x4096xf32, #tpu.memory_space<vmem_shared>> -> memref<4096xf32, #tpu.memory_space<vmem_shared>>
    %dma_start3A_18 = arith.constant 0 : i32
    %dma_start3A_19 = tpu.memref_slice %arg6[%dma_start3A, %dma_start3A_11, %dma_start3A_18] : memref<2x8x4096xf32, #tpu.memory_space<vmem>> -> memref<1x1x4096xf32, #tpu.memory_space<vmem>>
    %dma_start3A_20 = tpu.memref_squeeze %dma_start3A_19 : memref<1x1x4096xf32, #tpu.memory_space<vmem>> -> memref<4096xf32, #tpu.memory_space<vmem>>
    %dma_start3A_21 = arith.constant 0 : i32
    %dma_start3A_22 = tpu.memref_slice %arg7[%squeeze3A, %dma_start3A_21] : memref<104x4096xf32, #tpu.memory_space<vmem_shared>> -> memref<1x4096xf32, #tpu.memory_space<vmem_shared>>
    %dma_start3A_23 = tpu.memref_squeeze %dma_start3A_22 : memref<1x4096xf32, #tpu.memory_space<vmem_shared>> -> memref<4096xf32, #tpu.memory_space<vmem_shared>>
    tpu.enqueue_dma source(%dma_start3A_23 : memref<4096xf32, #tpu.memory_space<vmem_shared>>) target(%dma_start3A_20 : memref<4096xf32, #tpu.memory_space<vmem>>) target_semaphore(%arg8 : memref<!tpu.dma_semaphore, #tpu.memory_space<semaphore_mem>>)
    %slice3A_24 = vector.extract_strided_slice %get3A_10 {offsets = [1], sizes = [1], strides = [1]} : vector<16xi32> to vector<1xi32>
    %squeeze3A_25 = vector.extract %slice3A_24[0] : i32 from vector<1xi32>
    %dma_start3A_26 = arith.constant 0 : i32
    %dma_start3A_27 = arith.constant 1 : i32
    %dma_start3A_28 = arith.constant 0 : i32
    %dma_start3A_29 = tpu.memref_slice %arg6[%dma_start3A_26, %dma_start3A_27, %dma_start3A_28] : memref<2x8x4096xf32, #tpu.memory_space<vmem>> -> memref<1x1x4096xf32, #tpu.memory_space<vmem>>
    %dma_start3A_30 = tpu.memref_squeeze %dma_start3A_29 : memref<1x1x4096xf32, #tpu.memory_space<vmem>> -> memref<4096xf32, #tpu.memory_space<vmem>>
    %dma_start3A_31 = arith.constant 0 : i32
    %dma_start3A_32 = tpu.memref_slice %arg7[%squeeze3A_25, %dma_start3A_31] : memref<104x4096xf32, #tpu.memory_space<vmem_shared>> -> memref<1x4096xf32, #tpu.memory_space<vmem_shared>>
    %dma_start3A_33 = tpu.memref_squeeze %dma_start3A_32 : memref<1x4096xf32, #tpu.memory_space<vmem_shared>> -> memref<4096xf32, #tpu.memory_space<vmem_shared>>
    %dma_start3A_34 = arith.constant 0 : i32
    %dma_start3A_35 = tpu.memref_slice %arg6[%dma_start3A_26, %dma_start3A_27, %dma_start3A_34] : memref<2x8x4096xf32, #tpu.memory_space<vmem>> -> memref<1x1x4096xf32, #tpu.memory_space<vmem>>
    %dma_start3A_36 = tpu.memref_squeeze %dma_start3A_35 : memref<1x1x4096xf32, #tpu.memory_space<vmem>> -> memref<4096xf32, #tpu.memory_space<vmem>>
    %dma_start3A_37 = arith.constant 0 : i32
    %dma_start3A_38 = tpu.memref_slice %arg7[%squeeze3A_25, %dma_start3A_37] : memref<104x4096xf32, #tpu.memory_space<vmem_shared>> -> memref<1x4096xf32, #tpu.memory_space<vmem_shared>>
    %dma_start3A_39 = tpu.memref_squeeze %dma_start3A_38 : memref<1x4096xf32, #tpu.memory_space<vmem_shared>> -> memref<4096xf32, #tpu.memory_space<vmem_shared>>
    tpu.enqueue_dma source(%dma_start3A_39 : memref<4096xf32, #tpu.memory_space<vmem_shared>>) target(%dma_start3A_36 : memref<4096xf32, #tpu.memory_space<vmem>>) target_semaphore(%arg8 : memref<!tpu.dma_semaphore, #tpu.memory_space<semaphore_mem>>)
    %slice3A_40 = vector.extract_strided_slice %get3A_10 {offsets = [2], sizes = [1], strides = [1]} : vector<16xi32> to vector<1xi32>
    %squeeze3A_41 = vector.extract %slice3A_40[0] : i32 from vector<1xi32>
    %dma_start3A_42 = arith.constant 0 : i32
    %dma_start3A_43 = arith.constant 2 : i32
    %dma_start3A_44 = arith.constant 0 : i32
    %dma_start3A_45 = tpu.memref_slice %arg6[%dma_start3A_42, %dma_start3A_43, %dma_start3A_44] : memref<2x8x4096xf32, #tpu.memory_space<vmem>> -> memref<1x1x4096xf32, #tpu.memory_space<vmem>>
    %dma_start3A_46 = tpu.memref_squeeze %dma_start3A_45 : memref<1x1x4096xf32, #tpu.memory_space<vmem>> -> memref<4096xf32, #tpu.memory_space<vmem>>
    %dma_start3A_47 = arith.constant 0 : i32
    %dma_start3A_48 = tpu.memref_slice %arg7[%squeeze3A_41, %dma_start3A_47] : memref<104x4096xf32, #tpu.memory_space<vmem_shared>> -> memref<1x4096xf32, #tpu.memory_space<vmem_shared>>
    %dma_start3A_49 = tpu.memref_squeeze %dma_start3A_48 : memref<1x4096xf32, #tpu.memory_space<vmem_shared>> -> memref<4096xf32, #tpu.memory_space<vmem_shared>>
    %dma_start3A_50 = arith.constant 0 : i32
    %dma_start3A_51 = tpu.memref_slice %arg6[%dma_start3A_42, %dma_start3A_43, %dma_start3A_50] : memref<2x8x4096xf32, #tpu.memory_space<vmem>> -> memref<1x1x4096xf32, #tpu.memory_space<vmem>>
    %dma_start3A_52 = tpu.memref_squeeze %dma_start3A_51 : memref<1x1x4096xf32, #tpu.memory_space<vmem>> -> memref<4096xf32, #tpu.memory_space<vmem>>
    %dma_start3A_53 = arith.constant 0 : i32
    %dma_start3A_54 = tpu.memref_slice %arg7[%squeeze3A_41, %dma_start3A_53] : memref<104x4096xf32, #tpu.memory_space<vmem_shared>> -> memref<1x4096xf32, #tpu.memory_space<vmem_shared>>
    %dma_start3A_55 = tpu.memref_squeeze %dma_start3A_54 : memref<1x4096xf32, #tpu.memory_space<vmem_shared>> -> memref<4096xf32, #tpu.memory_space<vmem_shared>>
    tpu.enqueue_dma source(%dma_start3A_55 : memref<4096xf32, #tpu.memory_space<vmem_shared>>) target(%dma_start3A_52 : memref<4096xf32, #tpu.memory_space<vmem>>) target_semaphore(%arg8 : memref<!tpu.dma_semaphore, #tpu.memory_space<semaphore_mem>>)
    %slice3A_56 = vector.extract_strided_slice %get3A_10 {offsets = [3], sizes = [1], strides = [1]} : vector<16xi32> to vector<1xi32>
    %squeeze3A_57 = vector.extract %slice3A_56[0] : i32 from vector<1xi32>
    %dma_start3A_58 = arith.constant 0 : i32
    %dma_start3A_59 = arith.constant 3 : i32
    %dma_start3A_60 = arith.constant 0 : i32
    %dma_start3A_61 = tpu.memref_slice %arg6[%dma_start3A_58, %dma_start3A_59, %dma_start3A_60] : memref<2x8x4096xf32, #tpu.memory_space<vmem>> -> memref<1x1x4096xf32, #tpu.memory_space<vmem>>
    %dma_start3A_62 = tpu.memref_squeeze %dma_start3A_61 : memref<1x1x4096xf32, #tpu.memory_space<vmem>> -> memref<4096xf32, #tpu.memory_space<vmem>>
    %dma_start3A_63 = arith.constant 0 : i32
    %dma_start3A_64 = tpu.memref_slice %arg7[%squeeze3A_57, %dma_start3A_63] : memref<104x4096xf32, #tpu.memory_space<vmem_shared>> -> memref<1x4096xf32, #tpu.memory_space<vmem_shared>>
    %dma_start3A_65 = tpu.memref_squeeze %dma_start3A_64 : memref<1x4096xf32, #tpu.memory_space<vmem_shared>> -> memref<4096xf32, #tpu.memory_space<vmem_shared>>
    %dma_start3A_66 = arith.constant 0 : i32
    %dma_start3A_67 = tpu.memref_slice %arg6[%dma_start3A_58, %dma_start3A_59, %dma_start3A_66] : memref<2x8x4096xf32, #tpu.memory_space<vmem>> -> memref<1x1x4096xf32, #tpu.memory_space<vmem>>
    %dma_start3A_68 = tpu.memref_squeeze %dma_start3A_67 : memref<1x1x4096xf32, #tpu.memory_space<vmem>> -> memref<4096xf32, #tpu.memory_space<vmem>>
    %dma_start3A_69 = arith.constant 0 : i32
    %dma_start3A_70 = tpu.memref_slice %arg7[%squeeze3A_57, %dma_start3A_69] : memref<104x4096xf32, #tpu.memory_space<vmem_shared>> -> memref<1x4096xf32, #tpu.memory_space<vmem_shared>>
    %dma_start3A_71 = tpu.memref_squeeze %dma_start3A_70 : memref<1x4096xf32, #tpu.memory_space<vmem_shared>> -> memref<4096xf32, #tpu.memory_space<vmem_shared>>
    tpu.enqueue_dma source(%dma_start3A_71 : memref<4096xf32, #tpu.memory_space<vmem_shared>>) target(%dma_start3A_68 : memref<4096xf32, #tpu.memory_space<vmem>>) target_semaphore(%arg8 : memref<!tpu.dma_semaphore, #tpu.memory_space<semaphore_mem>>)
    %slice3A_72 = vector.extract_strided_slice %get3A_10 {offsets = [4], sizes = [1], strides = [1]} : vector<16xi32> to vector<1xi32>
    %squeeze3A_73 = vector.extract %slice3A_72[0] : i32 from vector<1xi32>
    %dma_start3A_74 = arith.constant 0 : i32
    %dma_start3A_75 = arith.constant 4 : i32
    %dma_start3A_76 = arith.constant 0 : i32
    %dma_start3A_77 = tpu.memref_slice %arg6[%dma_start3A_74, %dma_start3A_75, %dma_start3A_76] : memref<2x8x4096xf32, #tpu.memory_space<vmem>> -> memref<1x1x4096xf32, #tpu.memory_space<vmem>>
    %dma_start3A_78 = tpu.memref_squeeze %dma_start3A_77 : memref<1x1x4096xf32, #tpu.memory_space<vmem>> -> memref<4096xf32, #tpu.memory_space<vmem>>
    %dma_start3A_79 = arith.constant 0 : i32
    %dma_start3A_80 = tpu.memref_slice %arg7[%squeeze3A_73, %dma_start3A_79] : memref<104x4096xf32, #tpu.memory_space<vmem_shared>> -> memref<1x4096xf32, #tpu.memory_space<vmem_shared>>
    %dma_start3A_81 = tpu.memref_squeeze %dma_start3A_80 : memref<1x4096xf32, #tpu.memory_space<vmem_shared>> -> memref<4096xf32, #tpu.memory_space<vmem_shared>>
    %dma_start3A_82 = arith.constant 0 : i32
    %dma_start3A_83 = tpu.memref_slice %arg6[%dma_start3A_74, %dma_start3A_75, %dma_start3A_82] : memref<2x8x4096xf32, #tpu.memory_space<vmem>> -> memref<1x1x4096xf32, #tpu.memory_space<vmem>>
    %dma_start3A_84 = tpu.memref_squeeze %dma_start3A_83 : memref<1x1x4096xf32, #tpu.memory_space<vmem>> -> memref<4096xf32, #tpu.memory_space<vmem>>
    %dma_start3A_85 = arith.constant 0 : i32
    %dma_start3A_86 = tpu.memref_slice %arg7[%squeeze3A_73, %dma_start3A_85] : memref<104x4096xf32, #tpu.memory_space<vmem_shared>> -> memref<1x4096xf32, #tpu.memory_space<vmem_shared>>
    %dma_start3A_87 = tpu.memref_squeeze %dma_start3A_86 : memref<1x4096xf32, #tpu.memory_space<vmem_shared>> -> memref<4096xf32, #tpu.memory_space<vmem_shared>>
    tpu.enqueue_dma source(%dma_start3A_87 : memref<4096xf32, #tpu.memory_space<vmem_shared>>) target(%dma_start3A_84 : memref<4096xf32, #tpu.memory_space<vmem>>) target_semaphore(%arg8 : memref<!tpu.dma_semaphore, #tpu.memory_space<semaphore_mem>>)
    %slice3A_88 = vector.extract_strided_slice %get3A_10 {offsets = [5], sizes = [1], strides = [1]} : vector<16xi32> to vector<1xi32>
    %squeeze3A_89 = vector.extract %slice3A_88[0] : i32 from vector<1xi32>
    %dma_start3A_90 = arith.constant 0 : i32
    %dma_start3A_91 = arith.constant 5 : i32
    %dma_start3A_92 = arith.constant 0 : i32
    %dma_start3A_93 = tpu.memref_slice %arg6[%dma_start3A_90, %dma_start3A_91, %dma_start3A_92] : memref<2x8x4096xf32, #tpu.memory_space<vmem>> -> memref<1x1x4096xf32, #tpu.memory_space<vmem>>
    %dma_start3A_94 = tpu.memref_squeeze %dma_start3A_93 : memref<1x1x4096xf32, #tpu.memory_space<vmem>> -> memref<4096xf32, #tpu.memory_space<vmem>>
    %dma_start3A_95 = arith.constant 0 : i32
    %dma_start3A_96 = tpu.memref_slice %arg7[%squeeze3A_89, %dma_start3A_95] : memref<104x4096xf32, #tpu.memory_space<vmem_shared>> -> memref<1x4096xf32, #tpu.memory_space<vmem_shared>>
    %dma_start3A_97 = tpu.memref_squeeze %dma_start3A_96 : memref<1x4096xf32, #tpu.memory_space<vmem_shared>> -> memref<4096xf32, #tpu.memory_space<vmem_shared>>
    %dma_start3A_98 = arith.constant 0 : i32
    %dma_start3A_99 = tpu.memref_slice %arg6[%dma_start3A_90, %dma_start3A_91, %dma_start3A_98] : memref<2x8x4096xf32, #tpu.memory_space<vmem>> -> memref<1x1x4096xf32, #tpu.memory_space<vmem>>
    %dma_start3A_100 = tpu.memref_squeeze %dma_start3A_99 : memref<1x1x4096xf32, #tpu.memory_space<vmem>> -> memref<4096xf32, #tpu.memory_space<vmem>>
    %dma_start3A_101 = arith.constant 0 : i32
    %dma_start3A_102 = tpu.memref_slice %arg7[%squeeze3A_89, %dma_start3A_101] : memref<104x4096xf32, #tpu.memory_space<vmem_shared>> -> memref<1x4096xf32, #tpu.memory_space<vmem_shared>>
    %dma_start3A_103 = tpu.memref_squeeze %dma_start3A_102 : memref<1x4096xf32, #tpu.memory_space<vmem_shared>> -> memref<4096xf32, #tpu.memory_space<vmem_shared>>
    tpu.enqueue_dma source(%dma_start3A_103 : memref<4096xf32, #tpu.memory_space<vmem_shared>>) target(%dma_start3A_100 : memref<4096xf32, #tpu.memory_space<vmem>>) target_semaphore(%arg8 : memref<!tpu.dma_semaphore, #tpu.memory_space<semaphore_mem>>)
    %slice3A_104 = vector.extract_strided_slice %get3A_10 {offsets = [6], sizes = [1], strides = [1]} : vector<16xi32> to vector<1xi32>
    %squeeze3A_105 = vector.extract %slice3A_104[0] : i32 from vector<1xi32>
    %dma_start3A_106 = arith.constant 0 : i32
    %dma_start3A_107 = arith.constant 6 : i32
    %dma_start3A_108 = arith.constant 0 : i32
    %dma_start3A_109 = tpu.memref_slice %arg6[%dma_start3A_106, %dma_start3A_107, %dma_start3A_108] : memref<2x8x4096xf32, #tpu.memory_space<vmem>> -> memref<1x1x4096xf32, #tpu.memory_space<vmem>>
    %dma_start3A_110 = tpu.memref_squeeze %dma_start3A_109 : memref<1x1x4096xf32, #tpu.memory_space<vmem>> -> memref<4096xf32, #tpu.memory_space<vmem>>
    %dma_start3A_111 = arith.constant 0 : i32
    %dma_start3A_112 = tpu.memref_slice %arg7[%squeeze3A_105, %dma_start3A_111] : memref<104x4096xf32, #tpu.memory_space<vmem_shared>> -> memref<1x4096xf32, #tpu.memory_space<vmem_shared>>
    %dma_start3A_113 = tpu.memref_squeeze %dma_start3A_112 : memref<1x4096xf32, #tpu.memory_space<vmem_shared>> -> memref<4096xf32, #tpu.memory_space<vmem_shared>>
    %dma_start3A_114 = arith.constant 0 : i32
    %dma_start3A_115 = tpu.memref_slice %arg6[%dma_start3A_106, %dma_start3A_107, %dma_start3A_114] : memref<2x8x4096xf32, #tpu.memory_space<vmem>> -> memref<1x1x4096xf32, #tpu.memory_space<vmem>>
    %dma_start3A_116 = tpu.memref_squeeze %dma_start3A_115 : memref<1x1x4096xf32, #tpu.memory_space<vmem>> -> memref<4096xf32, #tpu.memory_space<vmem>>
    %dma_start3A_117 = arith.constant 0 : i32
    %dma_start3A_118 = tpu.memref_slice %arg7[%squeeze3A_105, %dma_start3A_117] : memref<104x4096xf32, #tpu.memory_space<vmem_shared>> -> memref<1x4096xf32, #tpu.memory_space<vmem_shared>>
    %dma_start3A_119 = tpu.memref_squeeze %dma_start3A_118 : memref<1x4096xf32, #tpu.memory_space<vmem_shared>> -> memref<4096xf32, #tpu.memory_space<vmem_shared>>
    tpu.enqueue_dma source(%dma_start3A_119 : memref<4096xf32, #tpu.memory_space<vmem_shared>>) target(%dma_start3A_116 : memref<4096xf32, #tpu.memory_space<vmem>>) target_semaphore(%arg8 : memref<!tpu.dma_semaphore, #tpu.memory_space<semaphore_mem>>)
    %slice3A_120 = vector.extract_strided_slice %get3A_10 {offsets = [7], sizes = [1], strides = [1]} : vector<16xi32> to vector<1xi32>
    %squeeze3A_121 = vector.extract %slice3A_120[0] : i32 from vector<1xi32>
    %dma_start3A_122 = arith.constant 0 : i32
    %dma_start3A_123 = arith.constant 7 : i32
    %dma_start3A_124 = arith.constant 0 : i32
    %dma_start3A_125 = tpu.memref_slice %arg6[%dma_start3A_122, %dma_start3A_123, %dma_start3A_124] : memref<2x8x4096xf32, #tpu.memory_space<vmem>> -> memref<1x1x4096xf32, #tpu.memory_space<vmem>>
    %dma_start3A_126 = tpu.memref_squeeze %dma_start3A_125 : memref<1x1x4096xf32, #tpu.memory_space<vmem>> -> memref<4096xf32, #tpu.memory_space<vmem>>
    %dma_start3A_127 = arith.constant 0 : i32
    %dma_start3A_128 = tpu.memref_slice %arg7[%squeeze3A_121, %dma_start3A_127] : memref<104x4096xf32, #tpu.memory_space<vmem_shared>> -> memref<1x4096xf32, #tpu.memory_space<vmem_shared>>
    %dma_start3A_129 = tpu.memref_squeeze %dma_start3A_128 : memref<1x4096xf32, #tpu.memory_space<vmem_shared>> -> memref<4096xf32, #tpu.memory_space<vmem_shared>>
    %dma_start3A_130 = arith.constant 0 : i32
    %dma_start3A_131 = tpu.memref_slice %arg6[%dma_start3A_122, %dma_start3A_123, %dma_start3A_130] : memref<2x8x4096xf32, #tpu.memory_space<vmem>> -> memref<1x1x4096xf32, #tpu.memory_space<vmem>>
    %dma_start3A_132 = tpu.memref_squeeze %dma_start3A_131 : memref<1x1x4096xf32, #tpu.memory_space<vmem>> -> memref<4096xf32, #tpu.memory_space<vmem>>
    %dma_start3A_133 = arith.constant 0 : i32
    %dma_start3A_134 = tpu.memref_slice %arg7[%squeeze3A_121, %dma_start3A_133] : memref<104x4096xf32, #tpu.memory_space<vmem_shared>> -> memref<1x4096xf32, #tpu.memory_space<vmem_shared>>
    %dma_start3A_135 = tpu.memref_squeeze %dma_start3A_134 : memref<1x4096xf32, #tpu.memory_space<vmem_shared>> -> memref<4096xf32, #tpu.memory_space<vmem_shared>>
    tpu.enqueue_dma source(%dma_start3A_135 : memref<4096xf32, #tpu.memory_space<vmem_shared>>) target(%dma_start3A_132 : memref<4096xf32, #tpu.memory_space<vmem>>) target_semaphore(%arg8 : memref<!tpu.dma_semaphore, #tpu.memory_space<semaphore_mem>>)
    %slice3A_136 = vector.extract_strided_slice %get3A_10 {offsets = [8], sizes = [1], strides = [1]} : vector<16xi32> to vector<1xi32>
    %squeeze3A_137 = vector.extract %slice3A_136[0] : i32 from vector<1xi32>
    %dma_start3A_138 = arith.constant 1 : i32
    %dma_start3A_139 = arith.constant 0 : i32
    %dma_start3A_140 = arith.constant 0 : i32
    %dma_start3A_141 = tpu.memref_slice %arg6[%dma_start3A_138, %dma_start3A_139, %dma_start3A_140] : memref<2x8x4096xf32, #tpu.memory_space<vmem>> -> memref<1x1x4096xf32, #tpu.memory_space<vmem>>
    %dma_start3A_142 = tpu.memref_squeeze %dma_start3A_141 : memref<1x1x4096xf32, #tpu.memory_space<vmem>> -> memref<4096xf32, #tpu.memory_space<vmem>>
    %dma_start3A_143 = arith.constant 0 : i32
    %dma_start3A_144 = tpu.memref_slice %arg7[%squeeze3A_137, %dma_start3A_143] : memref<104x4096xf32, #tpu.memory_space<vmem_shared>> -> memref<1x4096xf32, #tpu.memory_space<vmem_shared>>
    %dma_start3A_145 = tpu.memref_squeeze %dma_start3A_144 : memref<1x4096xf32, #tpu.memory_space<vmem_shared>> -> memref<4096xf32, #tpu.memory_space<vmem_shared>>
    %dma_start3A_146 = arith.constant 0 : i32
    %dma_start3A_147 = tpu.memref_slice %arg6[%dma_start3A_138, %dma_start3A_139, %dma_start3A_146] : memref<2x8x4096xf32, #tpu.memory_space<vmem>> -> memref<1x1x4096xf32, #tpu.memory_space<vmem>>
    %dma_start3A_148 = tpu.memref_squeeze %dma_start3A_147 : memref<1x1x4096xf32, #tpu.memory_space<vmem>> -> memref<4096xf32, #tpu.memory_space<vmem>>
    %dma_start3A_149 = arith.constant 0 : i32
    %dma_start3A_150 = tpu.memref_slice %arg7[%squeeze3A_137, %dma_start3A_149] : memref<104x4096xf32, #tpu.memory_space<vmem_shared>> -> memref<1x4096xf32, #tpu.memory_space<vmem_shared>>
    %dma_start3A_151 = tpu.memref_squeeze %dma_start3A_150 : memref<1x4096xf32, #tpu.memory_space<vmem_shared>> -> memref<4096xf32, #tpu.memory_space<vmem_shared>>
    tpu.enqueue_dma source(%dma_start3A_151 : memref<4096xf32, #tpu.memory_space<vmem_shared>>) target(%dma_start3A_148 : memref<4096xf32, #tpu.memory_space<vmem>>) target_semaphore(%arg9 : memref<!tpu.dma_semaphore, #tpu.memory_space<semaphore_mem>>)
    %slice3A_152 = vector.extract_strided_slice %get3A_10 {offsets = [9], sizes = [1], strides = [1]} : vector<16xi32> to vector<1xi32>
    %squeeze3A_153 = vector.extract %slice3A_152[0] : i32 from vector<1xi32>
    %dma_start3A_154 = arith.constant 1 : i32
    %dma_start3A_155 = arith.constant 1 : i32
    %dma_start3A_156 = arith.constant 0 : i32
    %dma_start3A_157 = tpu.memref_slice %arg6[%dma_start3A_154, %dma_start3A_155, %dma_start3A_156] : memref<2x8x4096xf32, #tpu.memory_space<vmem>> -> memref<1x1x4096xf32, #tpu.memory_space<vmem>>
    %dma_start3A_158 = tpu.memref_squeeze %dma_start3A_157 : memref<1x1x4096xf32, #tpu.memory_space<vmem>> -> memref<4096xf32, #tpu.memory_space<vmem>>
    %dma_start3A_159 = arith.constant 0 : i32
    %dma_start3A_160 = tpu.memref_slice %arg7[%squeeze3A_153, %dma_start3A_159] : memref<104x4096xf32, #tpu.memory_space<vmem_shared>> -> memref<1x4096xf32, #tpu.memory_space<vmem_shared>>
    %dma_start3A_161 = tpu.memref_squeeze %dma_start3A_160 : memref<1x4096xf32, #tpu.memory_space<vmem_shared>> -> memref<4096xf32, #tpu.memory_space<vmem_shared>>
    %dma_start3A_162 = arith.constant 0 : i32
    %dma_start3A_163 = tpu.memref_slice %arg6[%dma_start3A_154, %dma_start3A_155, %dma_start3A_162] : memref<2x8x4096xf32, #tpu.memory_space<vmem>> -> memref<1x1x4096xf32, #tpu.memory_space<vmem>>
    %dma_start3A_164 = tpu.memref_squeeze %dma_start3A_163 : memref<1x1x4096xf32, #tpu.memory_space<vmem>> -> memref<4096xf32, #tpu.memory_space<vmem>>
    %dma_start3A_165 = arith.constant 0 : i32
    %dma_start3A_166 = tpu.memref_slice %arg7[%squeeze3A_153, %dma_start3A_165] : memref<104x4096xf32, #tpu.memory_space<vmem_shared>> -> memref<1x4096xf32, #tpu.memory_space<vmem_shared>>
    %dma_start3A_167 = tpu.memref_squeeze %dma_start3A_166 : memref<1x4096xf32, #tpu.memory_space<vmem_shared>> -> memref<4096xf32, #tpu.memory_space<vmem_shared>>
    tpu.enqueue_dma source(%dma_start3A_167 : memref<4096xf32, #tpu.memory_space<vmem_shared>>) target(%dma_start3A_164 : memref<4096xf32, #tpu.memory_space<vmem>>) target_semaphore(%arg9 : memref<!tpu.dma_semaphore, #tpu.memory_space<semaphore_mem>>)
    %slice3A_168 = vector.extract_strided_slice %get3A_10 {offsets = [10], sizes = [1], strides = [1]} : vector<16xi32> to vector<1xi32>
    %squeeze3A_169 = vector.extract %slice3A_168[0] : i32 from vector<1xi32>
    %dma_start3A_170 = arith.constant 1 : i32
    %dma_start3A_171 = arith.constant 2 : i32
    %dma_start3A_172 = arith.constant 0 : i32
    %dma_start3A_173 = tpu.memref_slice %arg6[%dma_start3A_170, %dma_start3A_171, %dma_start3A_172] : memref<2x8x4096xf32, #tpu.memory_space<vmem>> -> memref<1x1x4096xf32, #tpu.memory_space<vmem>>
    %dma_start3A_174 = tpu.memref_squeeze %dma_start3A_173 : memref<1x1x4096xf32, #tpu.memory_space<vmem>> -> memref<4096xf32, #tpu.memory_space<vmem>>
    %dma_start3A_175 = arith.constant 0 : i32
    %dma_start3A_176 = tpu.memref_slice %arg7[%squeeze3A_169, %dma_start3A_175] : memref<104x4096xf32, #tpu.memory_space<vmem_shared>> -> memref<1x4096xf32, #tpu.memory_space<vmem_shared>>
    %dma_start3A_177 = tpu.memref_squeeze %dma_start3A_176 : memref<1x4096xf32, #tpu.memory_space<vmem_shared>> -> memref<4096xf32, #tpu.memory_space<vmem_shared>>
    %dma_start3A_178 = arith.constant 0 : i32
    %dma_start3A_179 = tpu.memref_slice %arg6[%dma_start3A_170, %dma_start3A_171, %dma_start3A_178] : memref<2x8x4096xf32, #tpu.memory_space<vmem>> -> memref<1x1x4096xf32, #tpu.memory_space<vmem>>
    %dma_start3A_180 = tpu.memref_squeeze %dma_start3A_179 : memref<1x1x4096xf32, #tpu.memory_space<vmem>> -> memref<4096xf32, #tpu.memory_space<vmem>>
    %dma_start3A_181 = arith.constant 0 : i32
    %dma_start3A_182 = tpu.memref_slice %arg7[%squeeze3A_169, %dma_start3A_181] : memref<104x4096xf32, #tpu.memory_space<vmem_shared>> -> memref<1x4096xf32, #tpu.memory_space<vmem_shared>>
    %dma_start3A_183 = tpu.memref_squeeze %dma_start3A_182 : memref<1x4096xf32, #tpu.memory_space<vmem_shared>> -> memref<4096xf32, #tpu.memory_space<vmem_shared>>
    tpu.enqueue_dma source(%dma_start3A_183 : memref<4096xf32, #tpu.memory_space<vmem_shared>>) target(%dma_start3A_180 : memref<4096xf32, #tpu.memory_space<vmem>>) target_semaphore(%arg9 : memref<!tpu.dma_semaphore, #tpu.memory_space<semaphore_mem>>)
    %slice3A_184 = vector.extract_strided_slice %get3A_10 {offsets = [11], sizes = [1], strides = [1]} : vector<16xi32> to vector<1xi32>
    %squeeze3A_185 = vector.extract %slice3A_184[0] : i32 from vector<1xi32>
    %dma_start3A_186 = arith.constant 1 : i32
    %dma_start3A_187 = arith.constant 3 : i32
    %dma_start3A_188 = arith.constant 0 : i32
    %dma_start3A_189 = tpu.memref_slice %arg6[%dma_start3A_186, %dma_start3A_187, %dma_start3A_188] : memref<2x8x4096xf32, #tpu.memory_space<vmem>> -> memref<1x1x4096xf32, #tpu.memory_space<vmem>>
    %dma_start3A_190 = tpu.memref_squeeze %dma_start3A_189 : memref<1x1x4096xf32, #tpu.memory_space<vmem>> -> memref<4096xf32, #tpu.memory_space<vmem>>
    %dma_start3A_191 = arith.constant 0 : i32
    %dma_start3A_192 = tpu.memref_slice %arg7[%squeeze3A_185, %dma_start3A_191] : memref<104x4096xf32, #tpu.memory_space<vmem_shared>> -> memref<1x4096xf32, #tpu.memory_space<vmem_shared>>
    %dma_start3A_193 = tpu.memref_squeeze %dma_start3A_192 : memref<1x4096xf32, #tpu.memory_space<vmem_shared>> -> memref<4096xf32, #tpu.memory_space<vmem_shared>>
    %dma_start3A_194 = arith.constant 0 : i32
    %dma_start3A_195 = tpu.memref_slice %arg6[%dma_start3A_186, %dma_start3A_187, %dma_start3A_194] : memref<2x8x4096xf32, #tpu.memory_space<vmem>> -> memref<1x1x4096xf32, #tpu.memory_space<vmem>>
    %dma_start3A_196 = tpu.memref_squeeze %dma_start3A_195 : memref<1x1x4096xf32, #tpu.memory_space<vmem>> -> memref<4096xf32, #tpu.memory_space<vmem>>
    %dma_start3A_197 = arith.constant 0 : i32
    %dma_start3A_198 = tpu.memref_slice %arg7[%squeeze3A_185, %dma_start3A_197] : memref<104x4096xf32, #tpu.memory_space<vmem_shared>> -> memref<1x4096xf32, #tpu.memory_space<vmem_shared>>
    %dma_start3A_199 = tpu.memref_squeeze %dma_start3A_198 : memref<1x4096xf32, #tpu.memory_space<vmem_shared>> -> memref<4096xf32, #tpu.memory_space<vmem_shared>>
    tpu.enqueue_dma source(%dma_start3A_199 : memref<4096xf32, #tpu.memory_space<vmem_shared>>) target(%dma_start3A_196 : memref<4096xf32, #tpu.memory_space<vmem>>) target_semaphore(%arg9 : memref<!tpu.dma_semaphore, #tpu.memory_space<semaphore_mem>>)
    %slice3A_200 = vector.extract_strided_slice %get3A_10 {offsets = [12], sizes = [1], strides = [1]} : vector<16xi32> to vector<1xi32>
    %squeeze3A_201 = vector.extract %slice3A_200[0] : i32 from vector<1xi32>
    %dma_start3A_202 = arith.constant 1 : i32
    %dma_start3A_203 = arith.constant 4 : i32
    %dma_start3A_204 = arith.constant 0 : i32
    %dma_start3A_205 = tpu.memref_slice %arg6[%dma_start3A_202, %dma_start3A_203, %dma_start3A_204] : memref<2x8x4096xf32, #tpu.memory_space<vmem>> -> memref<1x1x4096xf32, #tpu.memory_space<vmem>>
    %dma_start3A_206 = tpu.memref_squeeze %dma_start3A_205 : memref<1x1x4096xf32, #tpu.memory_space<vmem>> -> memref<4096xf32, #tpu.memory_space<vmem>>
    %dma_start3A_207 = arith.constant 0 : i32
    %dma_start3A_208 = tpu.memref_slice %arg7[%squeeze3A_201, %dma_start3A_207] : memref<104x4096xf32, #tpu.memory_space<vmem_shared>> -> memref<1x4096xf32, #tpu.memory_space<vmem_shared>>
    %dma_start3A_209 = tpu.memref_squeeze %dma_start3A_208 : memref<1x4096xf32, #tpu.memory_space<vmem_shared>> -> memref<4096xf32, #tpu.memory_space<vmem_shared>>
    %dma_start3A_210 = arith.constant 0 : i32
    %dma_start3A_211 = tpu.memref_slice %arg6[%dma_start3A_202, %dma_start3A_203, %dma_start3A_210] : memref<2x8x4096xf32, #tpu.memory_space<vmem>> -> memref<1x1x4096xf32, #tpu.memory_space<vmem>>
    %dma_start3A_212 = tpu.memref_squeeze %dma_start3A_211 : memref<1x1x4096xf32, #tpu.memory_space<vmem>> -> memref<4096xf32, #tpu.memory_space<vmem>>
    %dma_start3A_213 = arith.constant 0 : i32
    %dma_start3A_214 = tpu.memref_slice %arg7[%squeeze3A_201, %dma_start3A_213] : memref<104x4096xf32, #tpu.memory_space<vmem_shared>> -> memref<1x4096xf32, #tpu.memory_space<vmem_shared>>
    %dma_start3A_215 = tpu.memref_squeeze %dma_start3A_214 : memref<1x4096xf32, #tpu.memory_space<vmem_shared>> -> memref<4096xf32, #tpu.memory_space<vmem_shared>>
    tpu.enqueue_dma source(%dma_start3A_215 : memref<4096xf32, #tpu.memory_space<vmem_shared>>) target(%dma_start3A_212 : memref<4096xf32, #tpu.memory_space<vmem>>) target_semaphore(%arg9 : memref<!tpu.dma_semaphore, #tpu.memory_space<semaphore_mem>>)
    %slice3A_216 = vector.extract_strided_slice %get3A_10 {offsets = [13], sizes = [1], strides = [1]} : vector<16xi32> to vector<1xi32>
    %squeeze3A_217 = vector.extract %slice3A_216[0] : i32 from vector<1xi32>
    %dma_start3A_218 = arith.constant 1 : i32
    %dma_start3A_219 = arith.constant 5 : i32
    %dma_start3A_220 = arith.constant 0 : i32
    %dma_start3A_221 = tpu.memref_slice %arg6[%dma_start3A_218, %dma_start3A_219, %dma_start3A_220] : memref<2x8x4096xf32, #tpu.memory_space<vmem>> -> memref<1x1x4096xf32, #tpu.memory_space<vmem>>
    %dma_start3A_222 = tpu.memref_squeeze %dma_start3A_221 : memref<1x1x4096xf32, #tpu.memory_space<vmem>> -> memref<4096xf32, #tpu.memory_space<vmem>>
    %dma_start3A_223 = arith.constant 0 : i32
    %dma_start3A_224 = tpu.memref_slice %arg7[%squeeze3A_217, %dma_start3A_223] : memref<104x4096xf32, #tpu.memory_space<vmem_shared>> -> memref<1x4096xf32, #tpu.memory_space<vmem_shared>>
    %dma_start3A_225 = tpu.memref_squeeze %dma_start3A_224 : memref<1x4096xf32, #tpu.memory_space<vmem_shared>> -> memref<4096xf32, #tpu.memory_space<vmem_shared>>
    %dma_start3A_226 = arith.constant 0 : i32
    %dma_start3A_227 = tpu.memref_slice %arg6[%dma_start3A_218, %dma_start3A_219, %dma_start3A_226] : memref<2x8x4096xf32, #tpu.memory_space<vmem>> -> memref<1x1x4096xf32, #tpu.memory_space<vmem>>
    %dma_start3A_228 = tpu.memref_squeeze %dma_start3A_227 : memref<1x1x4096xf32, #tpu.memory_space<vmem>> -> memref<4096xf32, #tpu.memory_space<vmem>>
    %dma_start3A_229 = arith.constant 0 : i32
    %dma_start3A_230 = tpu.memref_slice %arg7[%squeeze3A_217, %dma_start3A_229] : memref<104x4096xf32, #tpu.memory_space<vmem_shared>> -> memref<1x4096xf32, #tpu.memory_space<vmem_shared>>
    %dma_start3A_231 = tpu.memref_squeeze %dma_start3A_230 : memref<1x4096xf32, #tpu.memory_space<vmem_shared>> -> memref<4096xf32, #tpu.memory_space<vmem_shared>>
    tpu.enqueue_dma source(%dma_start3A_231 : memref<4096xf32, #tpu.memory_space<vmem_shared>>) target(%dma_start3A_228 : memref<4096xf32, #tpu.memory_space<vmem>>) target_semaphore(%arg9 : memref<!tpu.dma_semaphore, #tpu.memory_space<semaphore_mem>>)
    %slice3A_232 = vector.extract_strided_slice %get3A_10 {offsets = [14], sizes = [1], strides = [1]} : vector<16xi32> to vector<1xi32>
    %squeeze3A_233 = vector.extract %slice3A_232[0] : i32 from vector<1xi32>
    %dma_start3A_234 = arith.constant 1 : i32
    %dma_start3A_235 = arith.constant 6 : i32
    %dma_start3A_236 = arith.constant 0 : i32
    %dma_start3A_237 = tpu.memref_slice %arg6[%dma_start3A_234, %dma_start3A_235, %dma_start3A_236] : memref<2x8x4096xf32, #tpu.memory_space<vmem>> -> memref<1x1x4096xf32, #tpu.memory_space<vmem>>
    %dma_start3A_238 = tpu.memref_squeeze %dma_start3A_237 : memref<1x1x4096xf32, #tpu.memory_space<vmem>> -> memref<4096xf32, #tpu.memory_space<vmem>>
    %dma_start3A_239 = arith.constant 0 : i32
    %dma_start3A_240 = tpu.memref_slice %arg7[%squeeze3A_233, %dma_start3A_239] : memref<104x4096xf32, #tpu.memory_space<vmem_shared>> -> memref<1x4096xf32, #tpu.memory_space<vmem_shared>>
    %dma_start3A_241 = tpu.memref_squeeze %dma_start3A_240 : memref<1x4096xf32, #tpu.memory_space<vmem_shared>> -> memref<4096xf32, #tpu.memory_space<vmem_shared>>
    %dma_start3A_242 = arith.constant 0 : i32
    %dma_start3A_243 = tpu.memref_slice %arg6[%dma_start3A_234, %dma_start3A_235, %dma_start3A_242] : memref<2x8x4096xf32, #tpu.memory_space<vmem>> -> memref<1x1x4096xf32, #tpu.memory_space<vmem>>
    %dma_start3A_244 = tpu.memref_squeeze %dma_start3A_243 : memref<1x1x4096xf32, #tpu.memory_space<vmem>> -> memref<4096xf32, #tpu.memory_space<vmem>>
    %dma_start3A_245 = arith.constant 0 : i32
    %dma_start3A_246 = tpu.memref_slice %arg7[%squeeze3A_233, %dma_start3A_245] : memref<104x4096xf32, #tpu.memory_space<vmem_shared>> -> memref<1x4096xf32, #tpu.memory_space<vmem_shared>>
    %dma_start3A_247 = tpu.memref_squeeze %dma_start3A_246 : memref<1x4096xf32, #tpu.memory_space<vmem_shared>> -> memref<4096xf32, #tpu.memory_space<vmem_shared>>
    tpu.enqueue_dma source(%dma_start3A_247 : memref<4096xf32, #tpu.memory_space<vmem_shared>>) target(%dma_start3A_244 : memref<4096xf32, #tpu.memory_space<vmem>>) target_semaphore(%arg9 : memref<!tpu.dma_semaphore, #tpu.memory_space<semaphore_mem>>)
    %slice3A_248 = vector.extract_strided_slice %get3A_10 {offsets = [15], sizes = [1], strides = [1]} : vector<16xi32> to vector<1xi32>
    %squeeze3A_249 = vector.extract %slice3A_248[0] : i32 from vector<1xi32>
    %dma_start3A_250 = arith.constant 1 : i32
    %dma_start3A_251 = arith.constant 7 : i32
    %dma_start3A_252 = arith.constant 0 : i32
    %dma_start3A_253 = tpu.memref_slice %arg6[%dma_start3A_250, %dma_start3A_251, %dma_start3A_252] : memref<2x8x4096xf32, #tpu.memory_space<vmem>> -> memref<1x1x4096xf32, #tpu.memory_space<vmem>>
    %dma_start3A_254 = tpu.memref_squeeze %dma_start3A_253 : memref<1x1x4096xf32, #tpu.memory_space<vmem>> -> memref<4096xf32, #tpu.memory_space<vmem>>
    %dma_start3A_255 = arith.constant 0 : i32
    %dma_start3A_256 = tpu.memref_slice %arg7[%squeeze3A_249, %dma_start3A_255] : memref<104x4096xf32, #tpu.memory_space<vmem_shared>> -> memref<1x4096xf32, #tpu.memory_space<vmem_shared>>
    %dma_start3A_257 = tpu.memref_squeeze %dma_start3A_256 : memref<1x4096xf32, #tpu.memory_space<vmem_shared>> -> memref<4096xf32, #tpu.memory_space<vmem_shared>>
    %dma_start3A_258 = arith.constant 0 : i32
    %dma_start3A_259 = tpu.memref_slice %arg6[%dma_start3A_250, %dma_start3A_251, %dma_start3A_258] : memref<2x8x4096xf32, #tpu.memory_space<vmem>> -> memref<1x1x4096xf32, #tpu.memory_space<vmem>>
    %dma_start3A_260 = tpu.memref_squeeze %dma_start3A_259 : memref<1x1x4096xf32, #tpu.memory_space<vmem>> -> memref<4096xf32, #tpu.memory_space<vmem>>
    %dma_start3A_261 = arith.constant 0 : i32
    %dma_start3A_262 = tpu.memref_slice %arg7[%squeeze3A_249, %dma_start3A_261] : memref<104x4096xf32, #tpu.memory_space<vmem_shared>> -> memref<1x4096xf32, #tpu.memory_space<vmem_shared>>
    %dma_start3A_263 = tpu.memref_squeeze %dma_start3A_262 : memref<1x4096xf32, #tpu.memory_space<vmem_shared>> -> memref<4096xf32, #tpu.memory_space<vmem_shared>>
    tpu.enqueue_dma source(%dma_start3A_263 : memref<4096xf32, #tpu.memory_space<vmem_shared>>) target(%dma_start3A_260 : memref<4096xf32, #tpu.memory_space<vmem>>) target_semaphore(%arg9 : memref<!tpu.dma_semaphore, #tpu.memory_space<semaphore_mem>>)
    %scan3A = arith.constant 0 : i32
    %scan3A_264 = arith.constant 0 : i32
    %scan3A_265 = arith.constant 40 : i32
    %scan3A_266 = arith.addi %scan3A_264, %scan3A_265 : i32
    %scan3A_267 = arith.constant 1 : i32
    %scan3A_268 = scf.for %scan3A_270 = %scan3A_264 to %scan3A_266 step %scan3A_267 iter_args(%scan3A_271 = %scan3A) -> (i32)  : i32 {
      %mul3A_272 = arith.constant 2 : i32
      %mul3A_273 = arith.muli %scan3A_270, %mul3A_272 : i32
      %dma_wait3A = arith.constant 0 : i32
      %dma_wait3A_274 = arith.constant 0 : i32
      %dma_wait3A_275 = arith.constant 0 : i32
      %dma_wait3A_276 = tpu.memref_slice %arg6[%dma_wait3A, %dma_wait3A_274, %dma_wait3A_275] : memref<2x8x4096xf32, #tpu.memory_space<vmem>> -> memref<1x8x4096xf32, #tpu.memory_space<vmem>>
      %dma_wait3A_277 = tpu.memref_squeeze %dma_wait3A_276 : memref<1x8x4096xf32, #tpu.memory_space<vmem>> -> memref<8x4096xf32, #tpu.memory_space<vmem>>
      %dma_wait3A_278 = arith.constant 0 : i32
      %dma_wait3A_279 = arith.constant 0 : i32
      %dma_wait3A_280 = tpu.memref_slice %arg2[%dma_wait3A_278, %dma_wait3A_279] : memref<104x4096xf32, #tpu.memory_space<hbm>> -> memref<8x4096xf32, #tpu.memory_space<hbm>>
      %dma_wait3A_281 = arith.constant 0 : i32
      %dma_wait3A_282 = arith.constant 0 : i32
      %dma_wait3A_283 = tpu.memref_slice %arg6[%dma_wait3A, %dma_wait3A_281, %dma_wait3A_282] : memref<2x8x4096xf32, #tpu.memory_space<vmem>> -> memref<1x8x4096xf32, #tpu.memory_space<vmem>>
      %dma_wait3A_284 = tpu.memref_squeeze %dma_wait3A_283 : memref<1x8x4096xf32, #tpu.memory_space<vmem>> -> memref<8x4096xf32, #tpu.memory_space<vmem>>
      %dma_wait3A_285 = arith.constant 0 : i32
      %dma_wait3A_286 = arith.constant 0 : i32
      %dma_wait3A_287 = tpu.memref_slice %arg2[%dma_wait3A_285, %dma_wait3A_286] : memref<104x4096xf32, #tpu.memory_space<hbm>> -> memref<8x4096xf32, #tpu.memory_space<hbm>>
      tpu.wait_dma2 semaphore(%arg8 : memref<!tpu.dma_semaphore, #tpu.memory_space<semaphore_mem>>) src(%dma_wait3A_287 : memref<8x4096xf32, #tpu.memory_space<hbm>>) dst(%dma_wait3A_284 : memref<8x4096xf32, #tpu.memory_space<vmem>>)
      %add3A_288 = arith.constant 0 : i32
      %add3A_289 = arith.addi %mul3A_273, %add3A_288 : i32
      %add3A_290 = arith.addi %mul3A_2, %add3A_289 : i32
      %dma_start3A_291 = arith.constant 0 : i32
      %dma_start3A_292 = arith.constant 0 : i32
      %dma_start3A_293 = arith.constant 0 : i32
      %dma_start3A_294 = tpu.memref_slice %arg6[%dma_start3A_291, %dma_start3A_292, %dma_start3A_293] : memref<2x8x4096xf32, #tpu.memory_space<vmem>> -> memref<1x8x4096xf32, #tpu.memory_space<vmem>>
      %dma_start3A_295 = tpu.memref_squeeze %dma_start3A_294 : memref<1x8x4096xf32, #tpu.memory_space<vmem>> -> memref<8x4096xf32, #tpu.memory_space<vmem>>
      %dma_start3A_296 = arith.constant 0 : i32
      %dma_start3A_297 = arith.constant 0 : i32
      %dma_start3A_298 = tpu.memref_slice %arg4[%add3A_290, %dma_start3A_296, %dma_start3A_297] : memref<2560x8x4096xf32, #tpu.memory_space<hbm>> -> memref<1x8x4096xf32, #tpu.memory_space<hbm>>
      %dma_start3A_299 = tpu.memref_squeeze %dma_start3A_298 : memref<1x8x4096xf32, #tpu.memory_space<hbm>> -> memref<8x4096xf32, #tpu.memory_space<hbm>>
      %dma_start3A_300 = arith.constant 0 : i32
      %dma_start3A_301 = arith.constant 0 : i32
      %dma_start3A_302 = tpu.memref_slice %arg4[%add3A_290, %dma_start3A_300, %dma_start3A_301] : memref<2560x8x4096xf32, #tpu.memory_space<hbm>> -> memref<1x8x4096xf32, #tpu.memory_space<hbm>>
      %dma_start3A_303 = tpu.memref_squeeze %dma_start3A_302 : memref<1x8x4096xf32, #tpu.memory_space<hbm>> -> memref<8x4096xf32, #tpu.memory_space<hbm>>
      %dma_start3A_304 = arith.constant 0 : i32
      %dma_start3A_305 = arith.constant 0 : i32
      %dma_start3A_306 = tpu.memref_slice %arg6[%dma_start3A_291, %dma_start3A_304, %dma_start3A_305] : memref<2x8x4096xf32, #tpu.memory_space<vmem>> -> memref<1x8x4096xf32, #tpu.memory_space<vmem>>
      %dma_start3A_307 = tpu.memref_squeeze %dma_start3A_306 : memref<1x8x4096xf32, #tpu.memory_space<vmem>> -> memref<8x4096xf32, #tpu.memory_space<vmem>>
      tpu.enqueue_dma source(%dma_start3A_307 : memref<8x4096xf32, #tpu.memory_space<vmem>>) target(%dma_start3A_303 : memref<8x4096xf32, #tpu.memory_space<hbm>>) target_semaphore(%arg10 : memref<!tpu.dma_semaphore, #tpu.memory_space<semaphore_mem>>)
      %dma_wait3A_308 = arith.constant 1 : i32
      %dma_wait3A_309 = arith.constant 0 : i32
      %dma_wait3A_310 = arith.constant 0 : i32
      %dma_wait3A_311 = tpu.memref_slice %arg6[%dma_wait3A_308, %dma_wait3A_309, %dma_wait3A_310] : memref<2x8x4096xf32, #tpu.memory_space<vmem>> -> memref<1x8x4096xf32, #tpu.memory_space<vmem>>
      %dma_wait3A_312 = tpu.memref_squeeze %dma_wait3A_311 : memref<1x8x4096xf32, #tpu.memory_space<vmem>> -> memref<8x4096xf32, #tpu.memory_space<vmem>>
      %dma_wait3A_313 = arith.constant 0 : i32
      %dma_wait3A_314 = arith.constant 0 : i32
      %dma_wait3A_315 = tpu.memref_slice %arg2[%dma_wait3A_313, %dma_wait3A_314] : memref<104x4096xf32, #tpu.memory_space<hbm>> -> memref<8x4096xf32, #tpu.memory_space<hbm>>
      %dma_wait3A_316 = arith.constant 0 : i32
      %dma_wait3A_317 = arith.constant 0 : i32
      %dma_wait3A_318 = tpu.memref_slice %arg6[%dma_wait3A_308, %dma_wait3A_316, %dma_wait3A_317] : memref<2x8x4096xf32, #tpu.memory_space<vmem>> -> memref<1x8x4096xf32, #tpu.memory_space<vmem>>
      %dma_wait3A_319 = tpu.memref_squeeze %dma_wait3A_318 : memref<1x8x4096xf32, #tpu.memory_space<vmem>> -> memref<8x4096xf32, #tpu.memory_space<vmem>>
      %dma_wait3A_320 = arith.constant 0 : i32
      %dma_wait3A_321 = arith.constant 0 : i32
      %dma_wait3A_322 = tpu.memref_slice %arg2[%dma_wait3A_320, %dma_wait3A_321] : memref<104x4096xf32, #tpu.memory_space<hbm>> -> memref<8x4096xf32, #tpu.memory_space<hbm>>
      tpu.wait_dma2 semaphore(%arg9 : memref<!tpu.dma_semaphore, #tpu.memory_space<semaphore_mem>>) src(%dma_wait3A_322 : memref<8x4096xf32, #tpu.memory_space<hbm>>) dst(%dma_wait3A_319 : memref<8x4096xf32, #tpu.memory_space<vmem>>)
      %add3A_323 = arith.constant 1 : i32
      %add3A_324 = arith.addi %mul3A_273, %add3A_323 : i32
      %add3A_325 = arith.addi %mul3A_2, %add3A_324 : i32
      %dma_start3A_326 = arith.constant 1 : i32
      %dma_start3A_327 = arith.constant 0 : i32
      %dma_start3A_328 = arith.constant 0 : i32
      %dma_start3A_329 = tpu.memref_slice %arg6[%dma_start3A_326, %dma_start3A_327, %dma_start3A_328] : memref<2x8x4096xf32, #tpu.memory_space<vmem>> -> memref<1x8x4096xf32, #tpu.memory_space<vmem>>
      %dma_start3A_330 = tpu.memref_squeeze %dma_start3A_329 : memref<1x8x4096xf32, #tpu.memory_space<vmem>> -> memref<8x4096xf32, #tpu.memory_space<vmem>>
      %dma_start3A_331 = arith.constant 0 : i32
      %dma_start3A_332 = arith.constant 0 : i32
      %dma_start3A_333 = tpu.memref_slice %arg4[%add3A_325, %dma_start3A_331, %dma_start3A_332] : memref<2560x8x4096xf32, #tpu.memory_space<hbm>> -> memref<1x8x4096xf32, #tpu.memory_space<hbm>>
      %dma_start3A_334 = tpu.memref_squeeze %dma_start3A_333 : memref<1x8x4096xf32, #tpu.memory_space<hbm>> -> memref<8x4096xf32, #tpu.memory_space<hbm>>
      %dma_start3A_335 = arith.constant 0 : i32
      %dma_start3A_336 = arith.constant 0 : i32
      %dma_start3A_337 = tpu.memref_slice %arg4[%add3A_325, %dma_start3A_335, %dma_start3A_336] : memref<2560x8x4096xf32, #tpu.memory_space<hbm>> -> memref<1x8x4096xf32, #tpu.memory_space<hbm>>
      %dma_start3A_338 = tpu.memref_squeeze %dma_start3A_337 : memref<1x8x4096xf32, #tpu.memory_space<hbm>> -> memref<8x4096xf32, #tpu.memory_space<hbm>>
      %dma_start3A_339 = arith.constant 0 : i32
      %dma_start3A_340 = arith.constant 0 : i32
      %dma_start3A_341 = tpu.memref_slice %arg6[%dma_start3A_326, %dma_start3A_339, %dma_start3A_340] : memref<2x8x4096xf32, #tpu.memory_space<vmem>> -> memref<1x8x4096xf32, #tpu.memory_space<vmem>>
      %dma_start3A_342 = tpu.memref_squeeze %dma_start3A_341 : memref<1x8x4096xf32, #tpu.memory_space<vmem>> -> memref<8x4096xf32, #tpu.memory_space<vmem>>
      tpu.enqueue_dma source(%dma_start3A_342 : memref<8x4096xf32, #tpu.memory_space<vmem>>) target(%dma_start3A_338 : memref<8x4096xf32, #tpu.memory_space<hbm>>) target_semaphore(%arg11 : memref<!tpu.dma_semaphore, #tpu.memory_space<semaphore_mem>>)
      %add3A_343 = arith.constant 1 : i32
      %add3A_344 = arith.addi %scan3A_270, %add3A_343 : i32
      %min3A = arith.constant 39 : i32
      %min3A_345 = arith.minsi %add3A_344, %min3A : i32
      %get3A_346 = arith.index_cast %min3A_345 : i32 to index
      %get3A_347 = arith.constant 0 : index
      %get3A_348 = tpu.vector_load %arg5[%get3A_346, %get3A_347] {strides = array<i32>} : memref<40x16xi32, #tpu.memory_space<vmem>>, vector<1x16xi32>,
      %get3A_349 = vector.shape_cast %get3A_348 : vector<1x16xi32> to vector<16xi32>
      %add3A_350 = arith.constant 0 : i32
      %add3A_351 = arith.addi %mul3A_273, %add3A_350 : i32
      %add3A_352 = arith.addi %mul3A_2, %add3A_351 : i32
      %dma_wait3A_353 = arith.constant 0 : i32
      %dma_wait3A_354 = arith.constant 0 : i32
      %dma_wait3A_355 = arith.constant 0 : i32
      %dma_wait3A_356 = tpu.memref_slice %arg6[%dma_wait3A_353, %dma_wait3A_354, %dma_wait3A_355] : memref<2x8x4096xf32, #tpu.memory_space<vmem>> -> memref<1x8x4096xf32, #tpu.memory_space<vmem>>
      %dma_wait3A_357 = tpu.memref_squeeze %dma_wait3A_356 : memref<1x8x4096xf32, #tpu.memory_space<vmem>> -> memref<8x4096xf32, #tpu.memory_space<vmem>>
      %dma_wait3A_358 = arith.constant 0 : i32
      %dma_wait3A_359 = arith.constant 0 : i32
      %dma_wait3A_360 = tpu.memref_slice %arg4[%add3A_352, %dma_wait3A_358, %dma_wait3A_359] : memref<2560x8x4096xf32, #tpu.memory_space<hbm>> -> memref<1x8x4096xf32, #tpu.memory_space<hbm>>
      %dma_wait3A_361 = tpu.memref_squeeze %dma_wait3A_360 : memref<1x8x4096xf32, #tpu.memory_space<hbm>> -> memref<8x4096xf32, #tpu.memory_space<hbm>>
      %dma_wait3A_362 = arith.constant 0 : i32
      %dma_wait3A_363 = arith.constant 0 : i32
      %dma_wait3A_364 = tpu.memref_slice %arg4[%add3A_352, %dma_wait3A_362, %dma_wait3A_363] : memref<2560x8x4096xf32, #tpu.memory_space<hbm>> -> memref<1x8x4096xf32, #tpu.memory_space<hbm>>
      %dma_wait3A_365 = tpu.memref_squeeze %dma_wait3A_364 : memref<1x8x4096xf32, #tpu.memory_space<hbm>> -> memref<8x4096xf32, #tpu.memory_space<hbm>>
      %dma_wait3A_366 = arith.constant 0 : i32
      %dma_wait3A_367 = arith.constant 0 : i32
      %dma_wait3A_368 = tpu.memref_slice %arg6[%dma_wait3A_353, %dma_wait3A_366, %dma_wait3A_367] : memref<2x8x4096xf32, #tpu.memory_space<vmem>> -> memref<1x8x4096xf32, #tpu.memory_space<vmem>>
      %dma_wait3A_369 = tpu.memref_squeeze %dma_wait3A_368 : memref<1x8x4096xf32, #tpu.memory_space<vmem>> -> memref<8x4096xf32, #tpu.memory_space<vmem>>
      tpu.wait_dma2 semaphore(%arg10 : memref<!tpu.dma_semaphore, #tpu.memory_space<semaphore_mem>>) src(%dma_wait3A_369 : memref<8x4096xf32, #tpu.memory_space<vmem>>) dst(%dma_wait3A_365 : memref<8x4096xf32, #tpu.memory_space<hbm>>)
      %add3A_370 = arith.constant 1 : i32
      %add3A_371 = arith.addi %scan3A_270, %add3A_370 : i32
      %lt3A = arith.constant 40 : i32
      %lt3A_372 = arith.cmpi slt, %add3A_371, %lt3A : i32
      %convert_element_type3A_373 = arith.extui %lt3A_372 : i1 to i32
      %cond3A_374 = arith.constant 0 : i32
      %cond3A_375 = arith.cmpi ne, %convert_element_type3A_373, %cond3A_374 : i32
      scf.if %cond3A_375 {
        %slice3A_404 = vector.extract_strided_slice %get3A_349 {offsets = [0], sizes = [1], strides = [1]} : vector<16xi32> to vector<1xi32>
        %squeeze3A_405 = vector.extract %slice3A_404[0] : i32 from vector<1xi32>
        %dma_start3A_406 = arith.constant 0 : i32
        %dma_start3A_407 = arith.constant 0 : i32
        %dma_start3A_408 = arith.constant 0 : i32
        %dma_start3A_409 = tpu.memref_slice %arg6[%dma_start3A_406, %dma_start3A_407, %dma_start3A_408] : memref<2x8x4096xf32, #tpu.memory_space<vmem>> -> memref<1x1x4096xf32, #tpu.memory_space<vmem>>
        %dma_start3A_410 = tpu.memref_squeeze %dma_start3A_409 : memref<1x1x4096xf32, #tpu.memory_space<vmem>> -> memref<4096xf32, #tpu.memory_space<vmem>>
        %dma_start3A_411 = arith.constant 0 : i32
        %dma_start3A_412 = tpu.memref_slice %arg7[%squeeze3A_405, %dma_start3A_411] : memref<104x4096xf32, #tpu.memory_space<vmem_shared>> -> memref<1x4096xf32, #tpu.memory_space<vmem_shared>>
        %dma_start3A_413 = tpu.memref_squeeze %dma_start3A_412 : memref<1x4096xf32, #tpu.memory_space<vmem_shared>> -> memref<4096xf32, #tpu.memory_space<vmem_shared>>
        %dma_start3A_414 = arith.constant 0 : i32
        %dma_start3A_415 = tpu.memref_slice %arg6[%dma_start3A_406, %dma_start3A_407, %dma_start3A_414] : memref<2x8x4096xf32, #tpu.memory_space<vmem>> -> memref<1x1x4096xf32, #tpu.memory_space<vmem>>
        %dma_start3A_416 = tpu.memref_squeeze %dma_start3A_415 : memref<1x1x4096xf32, #tpu.memory_space<vmem>> -> memref<4096xf32, #tpu.memory_space<vmem>>
        %dma_start3A_417 = arith.constant 0 : i32
        %dma_start3A_418 = tpu.memref_slice %arg7[%squeeze3A_405, %dma_start3A_417] : memref<104x4096xf32, #tpu.memory_space<vmem_shared>> -> memref<1x4096xf32, #tpu.memory_space<vmem_shared>>
        %dma_start3A_419 = tpu.memref_squeeze %dma_start3A_418 : memref<1x4096xf32, #tpu.memory_space<vmem_shared>> -> memref<4096xf32, #tpu.memory_space<vmem_shared>>
        tpu.enqueue_dma source(%dma_start3A_419 : memref<4096xf32, #tpu.memory_space<vmem_shared>>) target(%dma_start3A_416 : memref<4096xf32, #tpu.memory_space<vmem>>) target_semaphore(%arg8 : memref<!tpu.dma_semaphore, #tpu.memory_space<semaphore_mem>>)
        %slice3A_420 = vector.extract_strided_slice %get3A_349 {offsets = [1], sizes = [1], strides = [1]} : vector<16xi32> to vector<1xi32>
        %squeeze3A_421 = vector.extract %slice3A_420[0] : i32 from vector<1xi32>
        %dma_start3A_422 = arith.constant 0 : i32
        %dma_start3A_423 = arith.constant 1 : i32
        %dma_start3A_424 = arith.constant 0 : i32
        %dma_start3A_425 = tpu.memref_slice %arg6[%dma_start3A_422, %dma_start3A_423, %dma_start3A_424] : memref<2x8x4096xf32, #tpu.memory_space<vmem>> -> memref<1x1x4096xf32, #tpu.memory_space<vmem>>
        %dma_start3A_426 = tpu.memref_squeeze %dma_start3A_425 : memref<1x1x4096xf32, #tpu.memory_space<vmem>> -> memref<4096xf32, #tpu.memory_space<vmem>>
        %dma_start3A_427 = arith.constant 0 : i32
        %dma_start3A_428 = tpu.memref_slice %arg7[%squeeze3A_421, %dma_start3A_427] : memref<104x4096xf32, #tpu.memory_space<vmem_shared>> -> memref<1x4096xf32, #tpu.memory_space<vmem_shared>>
        %dma_start3A_429 = tpu.memref_squeeze %dma_start3A_428 : memref<1x4096xf32, #tpu.memory_space<vmem_shared>> -> memref<4096xf32, #tpu.memory_space<vmem_shared>>
        %dma_start3A_430 = arith.constant 0 : i32
        %dma_start3A_431 = tpu.memref_slice %arg6[%dma_start3A_422, %dma_start3A_423, %dma_start3A_430] : memref<2x8x4096xf32, #tpu.memory_space<vmem>> -> memref<1x1x4096xf32, #tpu.memory_space<vmem>>
        %dma_start3A_432 = tpu.memref_squeeze %dma_start3A_431 : memref<1x1x4096xf32, #tpu.memory_space<vmem>> -> memref<4096xf32, #tpu.memory_space<vmem>>
        %dma_start3A_433 = arith.constant 0 : i32
        %dma_start3A_434 = tpu.memref_slice %arg7[%squeeze3A_421, %dma_start3A_433] : memref<104x4096xf32, #tpu.memory_space<vmem_shared>> -> memref<1x4096xf32, #tpu.memory_space<vmem_shared>>
        %dma_start3A_435 = tpu.memref_squeeze %dma_start3A_434 : memref<1x4096xf32, #tpu.memory_space<vmem_shared>> -> memref<4096xf32, #tpu.memory_space<vmem_shared>>
        tpu.enqueue_dma source(%dma_start3A_435 : memref<4096xf32, #tpu.memory_space<vmem_shared>>) target(%dma_start3A_432 : memref<4096xf32, #tpu.memory_space<vmem>>) target_semaphore(%arg8 : memref<!tpu.dma_semaphore, #tpu.memory_space<semaphore_mem>>)
        %slice3A_436 = vector.extract_strided_slice %get3A_349 {offsets = [2], sizes = [1], strides = [1]} : vector<16xi32> to vector<1xi32>
        %squeeze3A_437 = vector.extract %slice3A_436[0] : i32 from vector<1xi32>
        %dma_start3A_438 = arith.constant 0 : i32
        %dma_start3A_439 = arith.constant 2 : i32
        %dma_start3A_440 = arith.constant 0 : i32
        %dma_start3A_441 = tpu.memref_slice %arg6[%dma_start3A_438, %dma_start3A_439, %dma_start3A_440] : memref<2x8x4096xf32, #tpu.memory_space<vmem>> -> memref<1x1x4096xf32, #tpu.memory_space<vmem>>
        %dma_start3A_442 = tpu.memref_squeeze %dma_start3A_441 : memref<1x1x4096xf32, #tpu.memory_space<vmem>> -> memref<4096xf32, #tpu.memory_space<vmem>>
        %dma_start3A_443 = arith.constant 0 : i32
        %dma_start3A_444 = tpu.memref_slice %arg7[%squeeze3A_437, %dma_start3A_443] : memref<104x4096xf32, #tpu.memory_space<vmem_shared>> -> memref<1x4096xf32, #tpu.memory_space<vmem_shared>>
        %dma_start3A_445 = tpu.memref_squeeze %dma_start3A_444 : memref<1x4096xf32, #tpu.memory_space<vmem_shared>> -> memref<4096xf32, #tpu.memory_space<vmem_shared>>
        %dma_start3A_446 = arith.constant 0 : i32
        %dma_start3A_447 = tpu.memref_slice %arg6[%dma_start3A_438, %dma_start3A_439, %dma_start3A_446] : memref<2x8x4096xf32, #tpu.memory_space<vmem>> -> memref<1x1x4096xf32, #tpu.memory_space<vmem>>
        %dma_start3A_448 = tpu.memref_squeeze %dma_start3A_447 : memref<1x1x4096xf32, #tpu.memory_space<vmem>> -> memref<4096xf32, #tpu.memory_space<vmem>>
        %dma_start3A_449 = arith.constant 0 : i32
        %dma_start3A_450 = tpu.memref_slice %arg7[%squeeze3A_437, %dma_start3A_449] : memref<104x4096xf32, #tpu.memory_space<vmem_shared>> -> memref<1x4096xf32, #tpu.memory_space<vmem_shared>>
        %dma_start3A_451 = tpu.memref_squeeze %dma_start3A_450 : memref<1x4096xf32, #tpu.memory_space<vmem_shared>> -> memref<4096xf32, #tpu.memory_space<vmem_shared>>
        tpu.enqueue_dma source(%dma_start3A_451 : memref<4096xf32, #tpu.memory_space<vmem_shared>>) target(%dma_start3A_448 : memref<4096xf32, #tpu.memory_space<vmem>>) target_semaphore(%arg8 : memref<!tpu.dma_semaphore, #tpu.memory_space<semaphore_mem>>)
        %slice3A_452 = vector.extract_strided_slice %get3A_349 {offsets = [3], sizes = [1], strides = [1]} : vector<16xi32> to vector<1xi32>
        %squeeze3A_453 = vector.extract %slice3A_452[0] : i32 from vector<1xi32>
        %dma_start3A_454 = arith.constant 0 : i32
        %dma_start3A_455 = arith.constant 3 : i32
        %dma_start3A_456 = arith.constant 0 : i32
        %dma_start3A_457 = tpu.memref_slice %arg6[%dma_start3A_454, %dma_start3A_455, %dma_start3A_456] : memref<2x8x4096xf32, #tpu.memory_space<vmem>> -> memref<1x1x4096xf32, #tpu.memory_space<vmem>>
        %dma_start3A_458 = tpu.memref_squeeze %dma_start3A_457 : memref<1x1x4096xf32, #tpu.memory_space<vmem>> -> memref<4096xf32, #tpu.memory_space<vmem>>
        %dma_start3A_459 = arith.constant 0 : i32
        %dma_start3A_460 = tpu.memref_slice %arg7[%squeeze3A_453, %dma_start3A_459] : memref<104x4096xf32, #tpu.memory_space<vmem_shared>> -> memref<1x4096xf32, #tpu.memory_space<vmem_shared>>
        %dma_start3A_461 = tpu.memref_squeeze %dma_start3A_460 : memref<1x4096xf32, #tpu.memory_space<vmem_shared>> -> memref<4096xf32, #tpu.memory_space<vmem_shared>>
        %dma_start3A_462 = arith.constant 0 : i32
        %dma_start3A_463 = tpu.memref_slice %arg6[%dma_start3A_454, %dma_start3A_455, %dma_start3A_462] : memref<2x8x4096xf32, #tpu.memory_space<vmem>> -> memref<1x1x4096xf32, #tpu.memory_space<vmem>>
        %dma_start3A_464 = tpu.memref_squeeze %dma_start3A_463 : memref<1x1x4096xf32, #tpu.memory_space<vmem>> -> memref<4096xf32, #tpu.memory_space<vmem>>
        %dma_start3A_465 = arith.constant 0 : i32
        %dma_start3A_466 = tpu.memref_slice %arg7[%squeeze3A_453, %dma_start3A_465] : memref<104x4096xf32, #tpu.memory_space<vmem_shared>> -> memref<1x4096xf32, #tpu.memory_space<vmem_shared>>
        %dma_start3A_467 = tpu.memref_squeeze %dma_start3A_466 : memref<1x4096xf32, #tpu.memory_space<vmem_shared>> -> memref<4096xf32, #tpu.memory_space<vmem_shared>>
        tpu.enqueue_dma source(%dma_start3A_467 : memref<4096xf32, #tpu.memory_space<vmem_shared>>) target(%dma_start3A_464 : memref<4096xf32, #tpu.memory_space<vmem>>) target_semaphore(%arg8 : memref<!tpu.dma_semaphore, #tpu.memory_space<semaphore_mem>>)
        %slice3A_468 = vector.extract_strided_slice %get3A_349 {offsets = [4], sizes = [1], strides = [1]} : vector<16xi32> to vector<1xi32>
        %squeeze3A_469 = vector.extract %slice3A_468[0] : i32 from vector<1xi32>
        %dma_start3A_470 = arith.constant 0 : i32
        %dma_start3A_471 = arith.constant 4 : i32
        %dma_start3A_472 = arith.constant 0 : i32
        %dma_start3A_473 = tpu.memref_slice %arg6[%dma_start3A_470, %dma_start3A_471, %dma_start3A_472] : memref<2x8x4096xf32, #tpu.memory_space<vmem>> -> memref<1x1x4096xf32, #tpu.memory_space<vmem>>
        %dma_start3A_474 = tpu.memref_squeeze %dma_start3A_473 : memref<1x1x4096xf32, #tpu.memory_space<vmem>> -> memref<4096xf32, #tpu.memory_space<vmem>>
        %dma_start3A_475 = arith.constant 0 : i32
        %dma_start3A_476 = tpu.memref_slice %arg7[%squeeze3A_469, %dma_start3A_475] : memref<104x4096xf32, #tpu.memory_space<vmem_shared>> -> memref<1x4096xf32, #tpu.memory_space<vmem_shared>>
        %dma_start3A_477 = tpu.memref_squeeze %dma_start3A_476 : memref<1x4096xf32, #tpu.memory_space<vmem_shared>> -> memref<4096xf32, #tpu.memory_space<vmem_shared>>
        %dma_start3A_478 = arith.constant 0 : i32
        %dma_start3A_479 = tpu.memref_slice %arg6[%dma_start3A_470, %dma_start3A_471, %dma_start3A_478] : memref<2x8x4096xf32, #tpu.memory_space<vmem>> -> memref<1x1x4096xf32, #tpu.memory_space<vmem>>
        %dma_start3A_480 = tpu.memref_squeeze %dma_start3A_479 : memref<1x1x4096xf32, #tpu.memory_space<vmem>> -> memref<4096xf32, #tpu.memory_space<vmem>>
        %dma_start3A_481 = arith.constant 0 : i32
        %dma_start3A_482 = tpu.memref_slice %arg7[%squeeze3A_469, %dma_start3A_481] : memref<104x4096xf32, #tpu.memory_space<vmem_shared>> -> memref<1x4096xf32, #tpu.memory_space<vmem_shared>>
        %dma_start3A_483 = tpu.memref_squeeze %dma_start3A_482 : memref<1x4096xf32, #tpu.memory_space<vmem_shared>> -> memref<4096xf32, #tpu.memory_space<vmem_shared>>
        tpu.enqueue_dma source(%dma_start3A_483 : memref<4096xf32, #tpu.memory_space<vmem_shared>>) target(%dma_start3A_480 : memref<4096xf32, #tpu.memory_space<vmem>>) target_semaphore(%arg8 : memref<!tpu.dma_semaphore, #tpu.memory_space<semaphore_mem>>)
        %slice3A_484 = vector.extract_strided_slice %get3A_349 {offsets = [5], sizes = [1], strides = [1]} : vector<16xi32> to vector<1xi32>
        %squeeze3A_485 = vector.extract %slice3A_484[0] : i32 from vector<1xi32>
        %dma_start3A_486 = arith.constant 0 : i32
        %dma_start3A_487 = arith.constant 5 : i32
        %dma_start3A_488 = arith.constant 0 : i32
        %dma_start3A_489 = tpu.memref_slice %arg6[%dma_start3A_486, %dma_start3A_487, %dma_start3A_488] : memref<2x8x4096xf32, #tpu.memory_space<vmem>> -> memref<1x1x4096xf32, #tpu.memory_space<vmem>>
        %dma_start3A_490 = tpu.memref_squeeze %dma_start3A_489 : memref<1x1x4096xf32, #tpu.memory_space<vmem>> -> memref<4096xf32, #tpu.memory_space<vmem>>
        %dma_start3A_491 = arith.constant 0 : i32
        %dma_start3A_492 = tpu.memref_slice %arg7[%squeeze3A_485, %dma_start3A_491] : memref<104x4096xf32, #tpu.memory_space<vmem_shared>> -> memref<1x4096xf32, #tpu.memory_space<vmem_shared>>
        %dma_start3A_493 = tpu.memref_squeeze %dma_start3A_492 : memref<1x4096xf32, #tpu.memory_space<vmem_shared>> -> memref<4096xf32, #tpu.memory_space<vmem_shared>>
        %dma_start3A_494 = arith.constant 0 : i32
        %dma_start3A_495 = tpu.memref_slice %arg6[%dma_start3A_486, %dma_start3A_487, %dma_start3A_494] : memref<2x8x4096xf32, #tpu.memory_space<vmem>> -> memref<1x1x4096xf32, #tpu.memory_space<vmem>>
        %dma_start3A_496 = tpu.memref_squeeze %dma_start3A_495 : memref<1x1x4096xf32, #tpu.memory_space<vmem>> -> memref<4096xf32, #tpu.memory_space<vmem>>
        %dma_start3A_497 = arith.constant 0 : i32
        %dma_start3A_498 = tpu.memref_slice %arg7[%squeeze3A_485, %dma_start3A_497] : memref<104x4096xf32, #tpu.memory_space<vmem_shared>> -> memref<1x4096xf32, #tpu.memory_space<vmem_shared>>
        %dma_start3A_499 = tpu.memref_squeeze %dma_start3A_498 : memref<1x4096xf32, #tpu.memory_space<vmem_shared>> -> memref<4096xf32, #tpu.memory_space<vmem_shared>>
        tpu.enqueue_dma source(%dma_start3A_499 : memref<4096xf32, #tpu.memory_space<vmem_shared>>) target(%dma_start3A_496 : memref<4096xf32, #tpu.memory_space<vmem>>) target_semaphore(%arg8 : memref<!tpu.dma_semaphore, #tpu.memory_space<semaphore_mem>>)
        %slice3A_500 = vector.extract_strided_slice %get3A_349 {offsets = [6], sizes = [1], strides = [1]} : vector<16xi32> to vector<1xi32>
        %squeeze3A_501 = vector.extract %slice3A_500[0] : i32 from vector<1xi32>
        %dma_start3A_502 = arith.constant 0 : i32
        %dma_start3A_503 = arith.constant 6 : i32
        %dma_start3A_504 = arith.constant 0 : i32
        %dma_start3A_505 = tpu.memref_slice %arg6[%dma_start3A_502, %dma_start3A_503, %dma_start3A_504] : memref<2x8x4096xf32, #tpu.memory_space<vmem>> -> memref<1x1x4096xf32, #tpu.memory_space<vmem>>
        %dma_start3A_506 = tpu.memref_squeeze %dma_start3A_505 : memref<1x1x4096xf32, #tpu.memory_space<vmem>> -> memref<4096xf32, #tpu.memory_space<vmem>>
        %dma_start3A_507 = arith.constant 0 : i32
        %dma_start3A_508 = tpu.memref_slice %arg7[%squeeze3A_501, %dma_start3A_507] : memref<104x4096xf32, #tpu.memory_space<vmem_shared>> -> memref<1x4096xf32, #tpu.memory_space<vmem_shared>>
        %dma_start3A_509 = tpu.memref_squeeze %dma_start3A_508 : memref<1x4096xf32, #tpu.memory_space<vmem_shared>> -> memref<4096xf32, #tpu.memory_space<vmem_shared>>
        %dma_start3A_510 = arith.constant 0 : i32
        %dma_start3A_511 = tpu.memref_slice %arg6[%dma_start3A_502, %dma_start3A_503, %dma_start3A_510] : memref<2x8x4096xf32, #tpu.memory_space<vmem>> -> memref<1x1x4096xf32, #tpu.memory_space<vmem>>
        %dma_start3A_512 = tpu.memref_squeeze %dma_start3A_511 : memref<1x1x4096xf32, #tpu.memory_space<vmem>> -> memref<4096xf32, #tpu.memory_space<vmem>>
        %dma_start3A_513 = arith.constant 0 : i32
        %dma_start3A_514 = tpu.memref_slice %arg7[%squeeze3A_501, %dma_start3A_513] : memref<104x4096xf32, #tpu.memory_space<vmem_shared>> -> memref<1x4096xf32, #tpu.memory_space<vmem_shared>>
        %dma_start3A_515 = tpu.memref_squeeze %dma_start3A_514 : memref<1x4096xf32, #tpu.memory_space<vmem_shared>> -> memref<4096xf32, #tpu.memory_space<vmem_shared>>
        tpu.enqueue_dma source(%dma_start3A_515 : memref<4096xf32, #tpu.memory_space<vmem_shared>>) target(%dma_start3A_512 : memref<4096xf32, #tpu.memory_space<vmem>>) target_semaphore(%arg8 : memref<!tpu.dma_semaphore, #tpu.memory_space<semaphore_mem>>)
        %slice3A_516 = vector.extract_strided_slice %get3A_349 {offsets = [7], sizes = [1], strides = [1]} : vector<16xi32> to vector<1xi32>
        %squeeze3A_517 = vector.extract %slice3A_516[0] : i32 from vector<1xi32>
        %dma_start3A_518 = arith.constant 0 : i32
        %dma_start3A_519 = arith.constant 7 : i32
        %dma_start3A_520 = arith.constant 0 : i32
        %dma_start3A_521 = tpu.memref_slice %arg6[%dma_start3A_518, %dma_start3A_519, %dma_start3A_520] : memref<2x8x4096xf32, #tpu.memory_space<vmem>> -> memref<1x1x4096xf32, #tpu.memory_space<vmem>>
        %dma_start3A_522 = tpu.memref_squeeze %dma_start3A_521 : memref<1x1x4096xf32, #tpu.memory_space<vmem>> -> memref<4096xf32, #tpu.memory_space<vmem>>
        %dma_start3A_523 = arith.constant 0 : i32
        %dma_start3A_524 = tpu.memref_slice %arg7[%squeeze3A_517, %dma_start3A_523] : memref<104x4096xf32, #tpu.memory_space<vmem_shared>> -> memref<1x4096xf32, #tpu.memory_space<vmem_shared>>
        %dma_start3A_525 = tpu.memref_squeeze %dma_start3A_524 : memref<1x4096xf32, #tpu.memory_space<vmem_shared>> -> memref<4096xf32, #tpu.memory_space<vmem_shared>>
        %dma_start3A_526 = arith.constant 0 : i32
        %dma_start3A_527 = tpu.memref_slice %arg6[%dma_start3A_518, %dma_start3A_519, %dma_start3A_526] : memref<2x8x4096xf32, #tpu.memory_space<vmem>> -> memref<1x1x4096xf32, #tpu.memory_space<vmem>>
        %dma_start3A_528 = tpu.memref_squeeze %dma_start3A_527 : memref<1x1x4096xf32, #tpu.memory_space<vmem>> -> memref<4096xf32, #tpu.memory_space<vmem>>
        %dma_start3A_529 = arith.constant 0 : i32
        %dma_start3A_530 = tpu.memref_slice %arg7[%squeeze3A_517, %dma_start3A_529] : memref<104x4096xf32, #tpu.memory_space<vmem_shared>> -> memref<1x4096xf32, #tpu.memory_space<vmem_shared>>
        %dma_start3A_531 = tpu.memref_squeeze %dma_start3A_530 : memref<1x4096xf32, #tpu.memory_space<vmem_shared>> -> memref<4096xf32, #tpu.memory_space<vmem_shared>>
        tpu.enqueue_dma source(%dma_start3A_531 : memref<4096xf32, #tpu.memory_space<vmem_shared>>) target(%dma_start3A_528 : memref<4096xf32, #tpu.memory_space<vmem>>) target_semaphore(%arg8 : memref<!tpu.dma_semaphore, #tpu.memory_space<semaphore_mem>>)
      } else {
      }
      %add3A_376 = arith.constant 1 : i32
      %add3A_377 = arith.addi %mul3A_273, %add3A_376 : i32
      %add3A_378 = arith.addi %mul3A_2, %add3A_377 : i32
      %dma_wait3A_379 = arith.constant 1 : i32
      %dma_wait3A_380 = arith.constant 0 : i32
      %dma_wait3A_381 = arith.constant 0 : i32
      %dma_wait3A_382 = tpu.memref_slice %arg6[%dma_wait3A_379, %dma_wait3A_380, %dma_wait3A_381] : memref<2x8x4096xf32, #tpu.memory_space<vmem>> -> memref<1x8x4096xf32, #tpu.memory_space<vmem>>
      %dma_wait3A_383 = tpu.memref_squeeze %dma_wait3A_382 : memref<1x8x4096xf32, #tpu.memory_space<vmem>> -> memref<8x4096xf32, #tpu.memory_space<vmem>>
      %dma_wait3A_384 = arith.constant 0 : i32
      %dma_wait3A_385 = arith.constant 0 : i32
      %dma_wait3A_386 = tpu.memref_slice %arg4[%add3A_378, %dma_wait3A_384, %dma_wait3A_385] : memref<2560x8x4096xf32, #tpu.memory_space<hbm>> -> memref<1x8x4096xf32, #tpu.memory_space<hbm>>
      %dma_wait3A_387 = tpu.memref_squeeze %dma_wait3A_386 : memref<1x8x4096xf32, #tpu.memory_space<hbm>> -> memref<8x4096xf32, #tpu.memory_space<hbm>>
      %dma_wait3A_388 = arith.constant 0 : i32
      %dma_wait3A_389 = arith.constant 0 : i32
      %dma_wait3A_390 = tpu.memref_slice %arg4[%add3A_378, %dma_wait3A_388, %dma_wait3A_389] : memref<2560x8x4096xf32, #tpu.memory_space<hbm>> -> memref<1x8x4096xf32, #tpu.memory_space<hbm>>
      %dma_wait3A_391 = tpu.memref_squeeze %dma_wait3A_390 : memref<1x8x4096xf32, #tpu.memory_space<hbm>> -> memref<8x4096xf32, #tpu.memory_space<hbm>>
      %dma_wait3A_392 = arith.constant 0 : i32
      %dma_wait3A_393 = arith.constant 0 : i32
      %dma_wait3A_394 = tpu.memref_slice %arg6[%dma_wait3A_379, %dma_wait3A_392, %dma_wait3A_393] : memref<2x8x4096xf32, #tpu.memory_space<vmem>> -> memref<1x8x4096xf32, #tpu.memory_space<vmem>>
      %dma_wait3A_395 = tpu.memref_squeeze %dma_wait3A_394 : memref<1x8x4096xf32, #tpu.memory_space<vmem>> -> memref<8x4096xf32, #tpu.memory_space<vmem>>
      tpu.wait_dma2 semaphore(%arg11 : memref<!tpu.dma_semaphore, #tpu.memory_space<semaphore_mem>>) src(%dma_wait3A_395 : memref<8x4096xf32, #tpu.memory_space<vmem>>) dst(%dma_wait3A_391 : memref<8x4096xf32, #tpu.memory_space<hbm>>)
      %add3A_396 = arith.constant 1 : i32
      %add3A_397 = arith.addi %scan3A_270, %add3A_396 : i32
      %lt3A_398 = arith.constant 40 : i32
      %lt3A_399 = arith.cmpi slt, %add3A_397, %lt3A_398 : i32
      %convert_element_type3A_400 = arith.extui %lt3A_399 : i1 to i32
      %cond3A_401 = arith.constant 0 : i32
      %cond3A_402 = arith.cmpi ne, %convert_element_type3A_400, %cond3A_401 : i32
      scf.if %cond3A_402 {
        %slice3A_404 = vector.extract_strided_slice %get3A_349 {offsets = [8], sizes = [1], strides = [1]} : vector<16xi32> to vector<1xi32>
        %squeeze3A_405 = vector.extract %slice3A_404[0] : i32 from vector<1xi32>
        %dma_start3A_406 = arith.constant 1 : i32
        %dma_start3A_407 = arith.constant 0 : i32
        %dma_start3A_408 = arith.constant 0 : i32
        %dma_start3A_409 = tpu.memref_slice %arg6[%dma_start3A_406, %dma_start3A_407, %dma_start3A_408] : memref<2x8x4096xf32, #tpu.memory_space<vmem>> -> memref<1x1x4096xf32, #tpu.memory_space<vmem>>
        %dma_start3A_410 = tpu.memref_squeeze %dma_start3A_409 : memref<1x1x4096xf32, #tpu.memory_space<vmem>> -> memref<4096xf32, #tpu.memory_space<vmem>>
        %dma_start3A_411 = arith.constant 0 : i32
        %dma_start3A_412 = tpu.memref_slice %arg7[%squeeze3A_405, %dma_start3A_411] : memref<104x4096xf32, #tpu.memory_space<vmem_shared>> -> memref<1x4096xf32, #tpu.memory_space<vmem_shared>>
        %dma_start3A_413 = tpu.memref_squeeze %dma_start3A_412 : memref<1x4096xf32, #tpu.memory_space<vmem_shared>> -> memref<4096xf32, #tpu.memory_space<vmem_shared>>
        %dma_start3A_414 = arith.constant 0 : i32
        %dma_start3A_415 = tpu.memref_slice %arg6[%dma_start3A_406, %dma_start3A_407, %dma_start3A_414] : memref<2x8x4096xf32, #tpu.memory_space<vmem>> -> memref<1x1x4096xf32, #tpu.memory_space<vmem>>
        %dma_start3A_416 = tpu.memref_squeeze %dma_start3A_415 : memref<1x1x4096xf32, #tpu.memory_space<vmem>> -> memref<4096xf32, #tpu.memory_space<vmem>>
        %dma_start3A_417 = arith.constant 0 : i32
        %dma_start3A_418 = tpu.memref_slice %arg7[%squeeze3A_405, %dma_start3A_417] : memref<104x4096xf32, #tpu.memory_space<vmem_shared>> -> memref<1x4096xf32, #tpu.memory_space<vmem_shared>>
        %dma_start3A_419 = tpu.memref_squeeze %dma_start3A_418 : memref<1x4096xf32, #tpu.memory_space<vmem_shared>> -> memref<4096xf32, #tpu.memory_space<vmem_shared>>
        tpu.enqueue_dma source(%dma_start3A_419 : memref<4096xf32, #tpu.memory_space<vmem_shared>>) target(%dma_start3A_416 : memref<4096xf32, #tpu.memory_space<vmem>>) target_semaphore(%arg9 : memref<!tpu.dma_semaphore, #tpu.memory_space<semaphore_mem>>)
        %slice3A_420 = vector.extract_strided_slice %get3A_349 {offsets = [9], sizes = [1], strides = [1]} : vector<16xi32> to vector<1xi32>
        %squeeze3A_421 = vector.extract %slice3A_420[0] : i32 from vector<1xi32>
        %dma_start3A_422 = arith.constant 1 : i32
        %dma_start3A_423 = arith.constant 1 : i32
        %dma_start3A_424 = arith.constant 0 : i32
        %dma_start3A_425 = tpu.memref_slice %arg6[%dma_start3A_422, %dma_start3A_423, %dma_start3A_424] : memref<2x8x4096xf32, #tpu.memory_space<vmem>> -> memref<1x1x4096xf32, #tpu.memory_space<vmem>>
        %dma_start3A_426 = tpu.memref_squeeze %dma_start3A_425 : memref<1x1x4096xf32, #tpu.memory_space<vmem>> -> memref<4096xf32, #tpu.memory_space<vmem>>
        %dma_start3A_427 = arith.constant 0 : i32
        %dma_start3A_428 = tpu.memref_slice %arg7[%squeeze3A_421, %dma_start3A_427] : memref<104x4096xf32, #tpu.memory_space<vmem_shared>> -> memref<1x4096xf32, #tpu.memory_space<vmem_shared>>
        %dma_start3A_429 = tpu.memref_squeeze %dma_start3A_428 : memref<1x4096xf32, #tpu.memory_space<vmem_shared>> -> memref<4096xf32, #tpu.memory_space<vmem_shared>>
        %dma_start3A_430 = arith.constant 0 : i32
        %dma_start3A_431 = tpu.memref_slice %arg6[%dma_start3A_422, %dma_start3A_423, %dma_start3A_430] : memref<2x8x4096xf32, #tpu.memory_space<vmem>> -> memref<1x1x4096xf32, #tpu.memory_space<vmem>>
        %dma_start3A_432 = tpu.memref_squeeze %dma_start3A_431 : memref<1x1x4096xf32, #tpu.memory_space<vmem>> -> memref<4096xf32, #tpu.memory_space<vmem>>
        %dma_start3A_433 = arith.constant 0 : i32
        %dma_start3A_434 = tpu.memref_slice %arg7[%squeeze3A_421, %dma_start3A_433] : memref<104x4096xf32, #tpu.memory_space<vmem_shared>> -> memref<1x4096xf32, #tpu.memory_space<vmem_shared>>
        %dma_start3A_435 = tpu.memref_squeeze %dma_start3A_434 : memref<1x4096xf32, #tpu.memory_space<vmem_shared>> -> memref<4096xf32, #tpu.memory_space<vmem_shared>>
        tpu.enqueue_dma source(%dma_start3A_435 : memref<4096xf32, #tpu.memory_space<vmem_shared>>) target(%dma_start3A_432 : memref<4096xf32, #tpu.memory_space<vmem>>) target_semaphore(%arg9 : memref<!tpu.dma_semaphore, #tpu.memory_space<semaphore_mem>>)
        %slice3A_436 = vector.extract_strided_slice %get3A_349 {offsets = [10], sizes = [1], strides = [1]} : vector<16xi32> to vector<1xi32>
        %squeeze3A_437 = vector.extract %slice3A_436[0] : i32 from vector<1xi32>
        %dma_start3A_438 = arith.constant 1 : i32
        %dma_start3A_439 = arith.constant 2 : i32
        %dma_start3A_440 = arith.constant 0 : i32
        %dma_start3A_441 = tpu.memref_slice %arg6[%dma_start3A_438, %dma_start3A_439, %dma_start3A_440] : memref<2x8x4096xf32, #tpu.memory_space<vmem>> -> memref<1x1x4096xf32, #tpu.memory_space<vmem>>
        %dma_start3A_442 = tpu.memref_squeeze %dma_start3A_441 : memref<1x1x4096xf32, #tpu.memory_space<vmem>> -> memref<4096xf32, #tpu.memory_space<vmem>>
        %dma_start3A_443 = arith.constant 0 : i32
        %dma_start3A_444 = tpu.memref_slice %arg7[%squeeze3A_437, %dma_start3A_443] : memref<104x4096xf32, #tpu.memory_space<vmem_shared>> -> memref<1x4096xf32, #tpu.memory_space<vmem_shared>>
        %dma_start3A_445 = tpu.memref_squeeze %dma_start3A_444 : memref<1x4096xf32, #tpu.memory_space<vmem_shared>> -> memref<4096xf32, #tpu.memory_space<vmem_shared>>
        %dma_start3A_446 = arith.constant 0 : i32
        %dma_start3A_447 = tpu.memref_slice %arg6[%dma_start3A_438, %dma_start3A_439, %dma_start3A_446] : memref<2x8x4096xf32, #tpu.memory_space<vmem>> -> memref<1x1x4096xf32, #tpu.memory_space<vmem>>
        %dma_start3A_448 = tpu.memref_squeeze %dma_start3A_447 : memref<1x1x4096xf32, #tpu.memory_space<vmem>> -> memref<4096xf32, #tpu.memory_space<vmem>>
        %dma_start3A_449 = arith.constant 0 : i32
        %dma_start3A_450 = tpu.memref_slice %arg7[%squeeze3A_437, %dma_start3A_449] : memref<104x4096xf32, #tpu.memory_space<vmem_shared>> -> memref<1x4096xf32, #tpu.memory_space<vmem_shared>>
        %dma_start3A_451 = tpu.memref_squeeze %dma_start3A_450 : memref<1x4096xf32, #tpu.memory_space<vmem_shared>> -> memref<4096xf32, #tpu.memory_space<vmem_shared>>
        tpu.enqueue_dma source(%dma_start3A_451 : memref<4096xf32, #tpu.memory_space<vmem_shared>>) target(%dma_start3A_448 : memref<4096xf32, #tpu.memory_space<vmem>>) target_semaphore(%arg9 : memref<!tpu.dma_semaphore, #tpu.memory_space<semaphore_mem>>)
        %slice3A_452 = vector.extract_strided_slice %get3A_349 {offsets = [11], sizes = [1], strides = [1]} : vector<16xi32> to vector<1xi32>
        %squeeze3A_453 = vector.extract %slice3A_452[0] : i32 from vector<1xi32>
        %dma_start3A_454 = arith.constant 1 : i32
        %dma_start3A_455 = arith.constant 3 : i32
        %dma_start3A_456 = arith.constant 0 : i32
        %dma_start3A_457 = tpu.memref_slice %arg6[%dma_start3A_454, %dma_start3A_455, %dma_start3A_456] : memref<2x8x4096xf32, #tpu.memory_space<vmem>> -> memref<1x1x4096xf32, #tpu.memory_space<vmem>>
        %dma_start3A_458 = tpu.memref_squeeze %dma_start3A_457 : memref<1x1x4096xf32, #tpu.memory_space<vmem>> -> memref<4096xf32, #tpu.memory_space<vmem>>
        %dma_start3A_459 = arith.constant 0 : i32
        %dma_start3A_460 = tpu.memref_slice %arg7[%squeeze3A_453, %dma_start3A_459] : memref<104x4096xf32, #tpu.memory_space<vmem_shared>> -> memref<1x4096xf32, #tpu.memory_space<vmem_shared>>
        %dma_start3A_461 = tpu.memref_squeeze %dma_start3A_460 : memref<1x4096xf32, #tpu.memory_space<vmem_shared>> -> memref<4096xf32, #tpu.memory_space<vmem_shared>>
        %dma_start3A_462 = arith.constant 0 : i32
        %dma_start3A_463 = tpu.memref_slice %arg6[%dma_start3A_454, %dma_start3A_455, %dma_start3A_462] : memref<2x8x4096xf32, #tpu.memory_space<vmem>> -> memref<1x1x4096xf32, #tpu.memory_space<vmem>>
        %dma_start3A_464 = tpu.memref_squeeze %dma_start3A_463 : memref<1x1x4096xf32, #tpu.memory_space<vmem>> -> memref<4096xf32, #tpu.memory_space<vmem>>
        %dma_start3A_465 = arith.constant 0 : i32
        %dma_start3A_466 = tpu.memref_slice %arg7[%squeeze3A_453, %dma_start3A_465] : memref<104x4096xf32, #tpu.memory_space<vmem_shared>> -> memref<1x4096xf32, #tpu.memory_space<vmem_shared>>
        %dma_start3A_467 = tpu.memref_squeeze %dma_start3A_466 : memref<1x4096xf32, #tpu.memory_space<vmem_shared>> -> memref<4096xf32, #tpu.memory_space<vmem_shared>>
        tpu.enqueue_dma source(%dma_start3A_467 : memref<4096xf32, #tpu.memory_space<vmem_shared>>) target(%dma_start3A_464 : memref<4096xf32, #tpu.memory_space<vmem>>) target_semaphore(%arg9 : memref<!tpu.dma_semaphore, #tpu.memory_space<semaphore_mem>>)
        %slice3A_468 = vector.extract_strided_slice %get3A_349 {offsets = [12], sizes = [1], strides = [1]} : vector<16xi32> to vector<1xi32>
        %squeeze3A_469 = vector.extract %slice3A_468[0] : i32 from vector<1xi32>
        %dma_start3A_470 = arith.constant 1 : i32
        %dma_start3A_471 = arith.constant 4 : i32
        %dma_start3A_472 = arith.constant 0 : i32
        %dma_start3A_473 = tpu.memref_slice %arg6[%dma_start3A_470, %dma_start3A_471, %dma_start3A_472] : memref<2x8x4096xf32, #tpu.memory_space<vmem>> -> memref<1x1x4096xf32, #tpu.memory_space<vmem>>
        %dma_start3A_474 = tpu.memref_squeeze %dma_start3A_473 : memref<1x1x4096xf32, #tpu.memory_space<vmem>> -> memref<4096xf32, #tpu.memory_space<vmem>>
        %dma_start3A_475 = arith.constant 0 : i32
        %dma_start3A_476 = tpu.memref_slice %arg7[%squeeze3A_469, %dma_start3A_475] : memref<104x4096xf32, #tpu.memory_space<vmem_shared>> -> memref<1x4096xf32, #tpu.memory_space<vmem_shared>>
        %dma_start3A_477 = tpu.memref_squeeze %dma_start3A_476 : memref<1x4096xf32, #tpu.memory_space<vmem_shared>> -> memref<4096xf32, #tpu.memory_space<vmem_shared>>
        %dma_start3A_478 = arith.constant 0 : i32
        %dma_start3A_479 = tpu.memref_slice %arg6[%dma_start3A_470, %dma_start3A_471, %dma_start3A_478] : memref<2x8x4096xf32, #tpu.memory_space<vmem>> -> memref<1x1x4096xf32, #tpu.memory_space<vmem>>
        %dma_start3A_480 = tpu.memref_squeeze %dma_start3A_479 : memref<1x1x4096xf32, #tpu.memory_space<vmem>> -> memref<4096xf32, #tpu.memory_space<vmem>>
        %dma_start3A_481 = arith.constant 0 : i32
        %dma_start3A_482 = tpu.memref_slice %arg7[%squeeze3A_469, %dma_start3A_481] : memref<104x4096xf32, #tpu.memory_space<vmem_shared>> -> memref<1x4096xf32, #tpu.memory_space<vmem_shared>>
        %dma_start3A_483 = tpu.memref_squeeze %dma_start3A_482 : memref<1x4096xf32, #tpu.memory_space<vmem_shared>> -> memref<4096xf32, #tpu.memory_space<vmem_shared>>
        tpu.enqueue_dma source(%dma_start3A_483 : memref<4096xf32, #tpu.memory_space<vmem_shared>>) target(%dma_start3A_480 : memref<4096xf32, #tpu.memory_space<vmem>>) target_semaphore(%arg9 : memref<!tpu.dma_semaphore, #tpu.memory_space<semaphore_mem>>)
        %slice3A_484 = vector.extract_strided_slice %get3A_349 {offsets = [13], sizes = [1], strides = [1]} : vector<16xi32> to vector<1xi32>
        %squeeze3A_485 = vector.extract %slice3A_484[0] : i32 from vector<1xi32>
        %dma_start3A_486 = arith.constant 1 : i32
        %dma_start3A_487 = arith.constant 5 : i32
        %dma_start3A_488 = arith.constant 0 : i32
        %dma_start3A_489 = tpu.memref_slice %arg6[%dma_start3A_486, %dma_start3A_487, %dma_start3A_488] : memref<2x8x4096xf32, #tpu.memory_space<vmem>> -> memref<1x1x4096xf32, #tpu.memory_space<vmem>>
        %dma_start3A_490 = tpu.memref_squeeze %dma_start3A_489 : memref<1x1x4096xf32, #tpu.memory_space<vmem>> -> memref<4096xf32, #tpu.memory_space<vmem>>
        %dma_start3A_491 = arith.constant 0 : i32
        %dma_start3A_492 = tpu.memref_slice %arg7[%squeeze3A_485, %dma_start3A_491] : memref<104x4096xf32, #tpu.memory_space<vmem_shared>> -> memref<1x4096xf32, #tpu.memory_space<vmem_shared>>
        %dma_start3A_493 = tpu.memref_squeeze %dma_start3A_492 : memref<1x4096xf32, #tpu.memory_space<vmem_shared>> -> memref<4096xf32, #tpu.memory_space<vmem_shared>>
        %dma_start3A_494 = arith.constant 0 : i32
        %dma_start3A_495 = tpu.memref_slice %arg6[%dma_start3A_486, %dma_start3A_487, %dma_start3A_494] : memref<2x8x4096xf32, #tpu.memory_space<vmem>> -> memref<1x1x4096xf32, #tpu.memory_space<vmem>>
        %dma_start3A_496 = tpu.memref_squeeze %dma_start3A_495 : memref<1x1x4096xf32, #tpu.memory_space<vmem>> -> memref<4096xf32, #tpu.memory_space<vmem>>
        %dma_start3A_497 = arith.constant 0 : i32
        %dma_start3A_498 = tpu.memref_slice %arg7[%squeeze3A_485, %dma_start3A_497] : memref<104x4096xf32, #tpu.memory_space<vmem_shared>> -> memref<1x4096xf32, #tpu.memory_space<vmem_shared>>
        %dma_start3A_499 = tpu.memref_squeeze %dma_start3A_498 : memref<1x4096xf32, #tpu.memory_space<vmem_shared>> -> memref<4096xf32, #tpu.memory_space<vmem_shared>>
        tpu.enqueue_dma source(%dma_start3A_499 : memref<4096xf32, #tpu.memory_space<vmem_shared>>) target(%dma_start3A_496 : memref<4096xf32, #tpu.memory_space<vmem>>) target_semaphore(%arg9 : memref<!tpu.dma_semaphore, #tpu.memory_space<semaphore_mem>>)
        %slice3A_500 = vector.extract_strided_slice %get3A_349 {offsets = [14], sizes = [1], strides = [1]} : vector<16xi32> to vector<1xi32>
        %squeeze3A_501 = vector.extract %slice3A_500[0] : i32 from vector<1xi32>
        %dma_start3A_502 = arith.constant 1 : i32
        %dma_start3A_503 = arith.constant 6 : i32
        %dma_start3A_504 = arith.constant 0 : i32
        %dma_start3A_505 = tpu.memref_slice %arg6[%dma_start3A_502, %dma_start3A_503, %dma_start3A_504] : memref<2x8x4096xf32, #tpu.memory_space<vmem>> -> memref<1x1x4096xf32, #tpu.memory_space<vmem>>
        %dma_start3A_506 = tpu.memref_squeeze %dma_start3A_505 : memref<1x1x4096xf32, #tpu.memory_space<vmem>> -> memref<4096xf32, #tpu.memory_space<vmem>>
        %dma_start3A_507 = arith.constant 0 : i32
        %dma_start3A_508 = tpu.memref_slice %arg7[%squeeze3A_501, %dma_start3A_507] : memref<104x4096xf32, #tpu.memory_space<vmem_shared>> -> memref<1x4096xf32, #tpu.memory_space<vmem_shared>>
        %dma_start3A_509 = tpu.memref_squeeze %dma_start3A_508 : memref<1x4096xf32, #tpu.memory_space<vmem_shared>> -> memref<4096xf32, #tpu.memory_space<vmem_shared>>
        %dma_start3A_510 = arith.constant 0 : i32
        %dma_start3A_511 = tpu.memref_slice %arg6[%dma_start3A_502, %dma_start3A_503, %dma_start3A_510] : memref<2x8x4096xf32, #tpu.memory_space<vmem>> -> memref<1x1x4096xf32, #tpu.memory_space<vmem>>
        %dma_start3A_512 = tpu.memref_squeeze %dma_start3A_511 : memref<1x1x4096xf32, #tpu.memory_space<vmem>> -> memref<4096xf32, #tpu.memory_space<vmem>>
        %dma_start3A_513 = arith.constant 0 : i32
        %dma_start3A_514 = tpu.memref_slice %arg7[%squeeze3A_501, %dma_start3A_513] : memref<104x4096xf32, #tpu.memory_space<vmem_shared>> -> memref<1x4096xf32, #tpu.memory_space<vmem_shared>>
        %dma_start3A_515 = tpu.memref_squeeze %dma_start3A_514 : memref<1x4096xf32, #tpu.memory_space<vmem_shared>> -> memref<4096xf32, #tpu.memory_space<vmem_shared>>
        tpu.enqueue_dma source(%dma_start3A_515 : memref<4096xf32, #tpu.memory_space<vmem_shared>>) target(%dma_start3A_512 : memref<4096xf32, #tpu.memory_space<vmem>>) target_semaphore(%arg9 : memref<!tpu.dma_semaphore, #tpu.memory_space<semaphore_mem>>)
        %slice3A_516 = vector.extract_strided_slice %get3A_349 {offsets = [15], sizes = [1], strides = [1]} : vector<16xi32> to vector<1xi32>
        %squeeze3A_517 = vector.extract %slice3A_516[0] : i32 from vector<1xi32>
        %dma_start3A_518 = arith.constant 1 : i32
        %dma_start3A_519 = arith.constant 7 : i32
        %dma_start3A_520 = arith.constant 0 : i32
        %dma_start3A_521 = tpu.memref_slice %arg6[%dma_start3A_518, %dma_start3A_519, %dma_start3A_520] : memref<2x8x4096xf32, #tpu.memory_space<vmem>> -> memref<1x1x4096xf32, #tpu.memory_space<vmem>>
        %dma_start3A_522 = tpu.memref_squeeze %dma_start3A_521 : memref<1x1x4096xf32, #tpu.memory_space<vmem>> -> memref<4096xf32, #tpu.memory_space<vmem>>
        %dma_start3A_523 = arith.constant 0 : i32
        %dma_start3A_524 = tpu.memref_slice %arg7[%squeeze3A_517, %dma_start3A_523] : memref<104x4096xf32, #tpu.memory_space<vmem_shared>> -> memref<1x4096xf32, #tpu.memory_space<vmem_shared>>
        %dma_start3A_525 = tpu.memref_squeeze %dma_start3A_524 : memref<1x4096xf32, #tpu.memory_space<vmem_shared>> -> memref<4096xf32, #tpu.memory_space<vmem_shared>>
        %dma_start3A_526 = arith.constant 0 : i32
        %dma_start3A_527 = tpu.memref_slice %arg6[%dma_start3A_518, %dma_start3A_519, %dma_start3A_526] : memref<2x8x4096xf32, #tpu.memory_space<vmem>> -> memref<1x1x4096xf32, #tpu.memory_space<vmem>>
        %dma_start3A_528 = tpu.memref_squeeze %dma_start3A_527 : memref<1x1x4096xf32, #tpu.memory_space<vmem>> -> memref<4096xf32, #tpu.memory_space<vmem>>
        %dma_start3A_529 = arith.constant 0 : i32
        %dma_start3A_530 = tpu.memref_slice %arg7[%squeeze3A_517, %dma_start3A_529] : memref<104x4096xf32, #tpu.memory_space<vmem_shared>> -> memref<1x4096xf32, #tpu.memory_space<vmem_shared>>
        %dma_start3A_531 = tpu.memref_squeeze %dma_start3A_530 : memref<1x4096xf32, #tpu.memory_space<vmem_shared>> -> memref<4096xf32, #tpu.memory_space<vmem_shared>>
        tpu.enqueue_dma source(%dma_start3A_531 : memref<4096xf32, #tpu.memory_space<vmem_shared>>) target(%dma_start3A_528 : memref<4096xf32, #tpu.memory_space<vmem>>) target_semaphore(%arg9 : memref<!tpu.dma_semaphore, #tpu.memory_space<semaphore_mem>>)
      } else {
      }
      %scan3A_403 = arith.constant 0 : i32
      scf.yield %scan3A_403 : i32
    }
    %scan3A_269 = arith.constant 40 : i32
    return
  }
}

</mosaic_0001>

<sc_bundles>
// kernel: kernel.3.cloned.1.call-start
scs
__scs_entry_jumppad:
0x0: {  	(pc) =	sbr.rel $0x88, $3  }
0x1: {  	(tag) =	ssettag $0x0;
	lr =	simm.s32 $0x1  }
0x2: {  	[smem:$0x3F9F] =	sst lr;
	_ =	strace $0xD0000000  }
0x3: {  	_ = 	snop  }
0x4: {  	_ = 	snop  }
0x5: {  	_ = 	snop  }
0x6: {  	_ = 	snop  }
0x7: {  	_ = 	snop  }
__scs_overlays_trampoline_lowered:
0x8: {  	[smem:$0x3FAE] =	sst s0  }
0x9: {  	[smem:$0x3FAF] =	sst s1  }
0xa: {  	[smem:$0x3FB0] =	sst s2  }
0xb: {  	[smem:$0x3FB1] =	sst s3  }
0xc: {  	[smem:$0x3FB2] =	sst s4  }
0xd: {  	[smem:$0x3FB3] =	sst s5  }
0xe: {  	[smem:$0x3FB4] =	sst s6  }
0xf: {  	[smem:$0x3FB5] =	sst s7  }
0x10: {  	[smem:$0x3FB6] =	sst s8  }
0x11: {  	[smem:$0x3FB7] =	sst s9;
	s0 =	simm.s32 @!p0 $0x0  }
0x12: {  	s1 =	sld [smem:$0x3F9D];
	s0 =	simm.s32 @p0 $0x1  }
0x13: {  	[smem:$0x3FB8] =	sst s0;
	s0 =	simm.s32 @!p1 $0x0  }
0x14: {  	s2 =	sld [smem:$0x3F9C];
	s0 =	simm.s32 @p1 $0x1  }
0x15: {  	[smem:$0x3FB9] =	sst s0;
	s0 =	simm.s32 @!p2 $0x0  }
0x16: {  	s3 =	sld [smem:$0x3FDB];
	s0 =	simm.s32 @p2 $0x1  }
0x17: {  	s4 =	simm.s32 $0x1BF5;
	[smem:$0x3FBB] =	sst s0  }
0x18: {  	s0 =	sld [smem:$0x3F9E];
	_ =	swait.ge [sflag:s4], $0x0  }
0x19: {  	s7 =	sld [smem:$0x3F9F]  }
0x1a: {  	s8 =	sadd.s32 $0xFFFFE003, lr  }
0x1b: {  	s9 =	sadd.s32 $0xFFFFFEF7, lr;
	s5 =	simm.s32 $0xFFFFFFFF;
	p2 =	slt.u32 s8, $0xFFFFF086  }
0x1c: {  	p1 =	slt.u32 s9, $0xF7A;
	s5 =	simm.s32 @!p2 $0x0  }
0x1d: {  	s5 =	simm.s32 @p1 $0x1;
	p0 =	seq.s32 s7, s2  }
0x1e: {  	s7 =	smul.u32 @!p0 $0xF7A, s2;
	p2 =	seq.s32 @!p0 s5, $0x0  }
0x1f: {  	s9 =	smul.u32 $0xF7A, s1;
	s8 =	simm.s32 @!p0 $0x1BF5;
	p2 =	por !p2, p0  }
0x20: {  	[sflag:s8] =	ssyncset.s32 @!p0 $0xFFFFF086;
	s6 =	sadd.s32 @!p0 s3, s7;
	s7 =	simm.s32 @!p0 $0x108  }
0x21: {  	s3 =	sadd.s32 s3, s9;
	s6 =	sadd.s32 @!p0 $0x88, s6;
	s7 =	simm.s32 @p2 $0x1082  }
0x22: {  	[simem:s7], [sflag:s8] =	dma.local @!p0 [hbm:s6], $0xF7A  }
0x23: {  	s9 =	sor.u32 $0xD0000000, s2;
	s6 =	simm.s32 $0x108;
	_ =	swait.ge @!p0 [sflag:s8], $0x0  }
0x24: {  	s3 =	sadd.s32 $0x88, s3;
	s6 =	simm.s32 @!p1 $0x1082;
	[sflag:s4] =	ssyncset.s32 $0xFFFFF086  }
0x25: {  	[simem:s6], [sflag:s4] =	dma.local [hbm:s3], $0xF7A  }
0x26: {  	[smem:$0x3F9F] =	sst s1;
	(tag) =	ssettag s2;
	_ =	strace s9  }
0x27: {  	s1 =	sld [smem:$0x3FAF]  }
0x28: {  	s2 =	sld [smem:$0x3FB0]  }
0x29: {  	s4 =	sld [smem:$0x3FB2]  }
0x2a: {  	p0 =	seq.s32 s5, $0x0;
	s5 =	sld [smem:$0x3FB3]  }
0x2b: {  	s6 =	sld [smem:$0x3FB4]  }
0x2c: {  	s7 =	sld [smem:$0x3FB5]  }
0x2d: {  	s3 =	simm.s32 $0x108;
	s8 =	sld [smem:$0x3FB6]  }
0x2e: {  	s3 =	simm.s32 @!p0 $0x1082;
	s9 =	sld [smem:$0x3FB7]  }
0x2f: {  	lr =	sadd.s32 s0, s3;
	s0 =	sld [smem:$0x3FAE]  }
0x30: {  	s3 =	sld [smem:$0x3FB1]  }
0x31: {  	[smem:$0x3FBA] =	sst s10  }
0x32: {  	s10 =	sld [smem:$0x3FB8];
	_ =	sdelay $0x3  }
0x33: {  	p0 =	seq.s32 s10, $0x1;
	s10 =	sld [smem:$0x3FBA];
	_ =	sdelay $0x3  }
0x34: {  	[smem:$0x3FBA] =	sst s10  }
0x35: {  	s10 =	sld [smem:$0x3FB9];
	_ =	sdelay $0x3  }
0x36: {  	p1 =	seq.s32 s10, $0x1;
	s10 =	sld [smem:$0x3FBA];
	_ =	sdelay $0x3  }
0x37: {  	[smem:$0x3FBA] =	sst s10  }
0x38: {  	s10 =	sld [smem:$0x3FBB]  }
0x39: {  	_ = 	snop;
	(pc) =	sbr.ind lr, $3  }
0x3a: {  	_ = 	snop  }
0x3b: {  	_ = 	snop  }
0x3c: {  	p2 =	seq.s32 s10, $0x1;
	s10 =	sld [smem:$0x3FBA]  }
0x3d: {  	_ =	shalt  }
0x3e: {  	_ =	shalt  }
0x3f: {  	_ =	shalt  }
0x40: {  	_ =	shalt  }
0x41: {  	_ =	shalt  }
0x42: {  	_ =	shalt  }
0x43: {  	_ =	shalt  }
0x44: {  	_ =	shalt  }
0x45: {  	_ =	shalt  }
0x46: {  	_ =	shalt  }
0x47: {  	_ =	shalt  }
0x48: {  	_ =	shalt  }
0x49: {  	_ =	shalt  }
0x4a: {  	_ =	shalt  }
0x4b: {  	_ =	shalt  }
0x4c: {  	_ =	shalt  }
0x4d: {  	_ =	shalt  }
0x4e: {  	_ =	shalt  }
0x4f: {  	_ =	shalt  }
0x50: {  	_ =	shalt  }
0x51: {  	_ =	shalt  }
0x52: {  	_ =	shalt  }
0x53: {  	_ =	shalt  }
0x54: {  	_ =	shalt  }
0x55: {  	_ =	shalt  }
0x56: {  	_ =	shalt  }
0x57: {  	_ =	shalt  }
0x58: {  	_ =	shalt  }
0x59: {  	_ =	shalt  }
0x5a: {  	_ =	shalt  }
0x5b: {  	_ =	shalt  }
0x5c: {  	_ =	shalt  }
0x5d: {  	_ =	shalt  }
0x5e: {  	_ =	shalt  }
0x5f: {  	_ =	shalt  }
0x60: {  	_ =	shalt  }
0x61: {  	_ =	shalt  }
0x62: {  	_ =	shalt  }
0x63: {  	_ =	shalt  }
0x64: {  	_ =	shalt  }
0x65: {  	_ =	shalt  }
0x66: {  	_ =	shalt  }
0x67: {  	_ =	shalt  }
0x68: {  	_ =	shalt  }
0x69: {  	_ =	shalt  }
0x6a: {  	_ =	shalt  }
0x6b: {  	_ =	shalt  }
0x6c: {  	_ =	shalt  }
0x6d: {  	_ =	shalt  }
0x6e: {  	_ =	shalt  }
0x6f: {  	_ =	shalt  }
0x70: {  	_ =	shalt  }
0x71: {  	_ =	shalt  }
0x72: {  	_ =	shalt  }
0x73: {  	_ =	shalt  }
0x74: {  	_ =	shalt  }
0x75: {  	_ =	shalt  }
0x76: {  	_ =	shalt  }
0x77: {  	_ =	shalt  }
0x78: {  	_ =	shalt  }
0x79: {  	_ =	shalt  }
0x7a: {  	_ =	shalt  }
0x7b: {  	_ =	shalt  }
0x7c: {  	_ =	shalt  }
0x7d: {  	_ =	shalt  }
0x7e: {  	_ =	shalt  }
0x7f: {  	_ =	shalt  }
0x80: {  	_ =	shalt  }
0x81: {  	_ =	shalt  }
0x82: {  	_ =	shalt  }
0x83: {  	_ =	shalt  }
0x84: {  	_ =	shalt  }
0x85: {  	_ =	shalt  }
0x86: {  	_ =	shalt  }
0x87: {  	_ =	shalt  }
.Lfunc_end0:
.L_simem_size_0:
called_computation_lowered:
.L_overlay_start_0:
0x88: {  	s2 =	sld [smem:$0x3FD9]  }
0x89: {  	s3 =	sld [smem:$0x3FFE];
	_ =	sdelay $0x1  }
0x8a: {  	s1 =	srdreg.scid  }
0x8b: {  	s0 =	sand.u32 $0x1, s1  }
0x8c: {  	s14 =	sshll.u32 s0, $0xA;
	s2 =	sadd.s32 s3, s2  }
0x8d: {  	s2 =	sadd.s32 s2, s14  }
0x8e: {  	[smem:$0x3FC6] =	sst s2  }
0x8f: {  	_ = 	snop  }
0x90: {  	s2 =	sld [smem:$0x3FD0];
	_ =	sdelay $0x2  }
0x91: {  	s15 =	simm.s32 $0xA;
	s4 =	simm.s32 $0x10  }
0x92: {  	[smem:s4], [sflag:s15] =	dma.local [hbm:s2], $0x1  }
0x93: {  	_ =	swait.eq [sflag:s15], $0x1  }
0x94: {  	[sflag:s15] =	ssyncset.done $0x0  }
0x95: {  	[sflag:s15] =	ssyncadd.s32 $0xFFFFFFFF  }
0x96: {  	s16 =	sld [smem:$0x10];
	(tm) =	ssettm $0x1  }
0x97: {  	s17 =	sld [smem:$0x3FFB];
	_ =	sdelay $0x3  }
0x98: {  	_ =	strace s17  }
0x99: {  	s3 =	sld [smem:$0x3FFC];
	_ =	sdelay $0x3  }
0x9a: {  	_ =	strace s3  }
0x9b: {  	s3 =	sld [smem:$0x3FFD];
	_ =	sdelay $0x3  }
0x9c: {  	_ =	strace s3  }
0x9d: {  	_ =	strace $0x8FFFFFFF  }
0x9e: {  	s18 =	sld [smem:$0x3FDB];
	_ =	sdelay $0x1  }
0x9f: {  	s19 =	simm.s32 $_scs_section_size  }
0xa0: {  	s5 =	simm.s32 $_size__tile_overlayer_lowered;
	s6 =	simm.s32 $_tile_overlayer_lowered  }
0xa1: {  	s22 =	simm.s32 $0x1BFF;
	s21 =	sshll.u32 s6, $0x1;
	s3 =	sadd.s32 s19, s18  }
0xa2: {  	s7 =	simm.s32 $0x0;
	s20 =	sshll.u32 s5, $0x1;
	s5 =	sadd.s32 s21, s3  }
0xa3: {  	[timem:s7], [sflag:s22] =	dma.local [hbm:s5], s20  }
0xa4: {  	_ =	swait.ge [sflag:s22], s20  }
0xa5: {  	s4 =	ssub.s32 $0x0, s20;
	[sflag:s22] =	ssyncset.done $0x0  }
0xa6: {  	[sflag:s22] =	ssyncadd.s32 s4;
	_ =	sdelay $0x1  }
0xa7: {  	s23 =	simm.s32 $0x1B8B  }
0xa8: {  	_ =	swait.ge [sflag:s23], $0x1  }
0xa9: {  	[sflag:s23] =	ssyncset.done $0x0  }
0xaa: {  	s25 =	simm.s32 $0x1B8E;
	s24 =	sld [smem:$0x3FFE];
	[sflag:s23] =	ssyncadd.s32 $0xFFFFFFFF  }
0xab: {  	s26 =	simm.s32 $execute0_lowered;
	[smem:$0x3FD2] =	sst s25  }
0xac: {  	s5 =	sshll.u32 s26, $0x1;
	_ =	strace $0x80000046;
	[dreg:$0x1] =	wrdreg $0xFFFFFFFF  }
0xad: {  	s28 =	simm.s32 $_size_execute0_lowered;
	s3 =	sadd.s32 s3, s5;
	[dreg:$0x0] =	wrdreg $0x0  }
0xae: {  	s5 =	sshll.u32 s28, $0x1;
	[dreg:$0x2] =	wrdreg s3  }
0xaf: {  	[dreg:$0x3] =	wrdreg s5  }
0xb0: {  	[dreg:$0x4] =	wrdreg $0xC0  }
0xb1: {  	_ =	task [dreg:s7], $0x5FFFF  }
0xb2: {  	[dreg:$0x1] =	wrdreg $0xFFFFFFFF  }
0xb3: {  	[dreg:$0x0] =	wrdreg $0x60  }
0xb4: {  	[dreg:$0x2] =	wrdreg s24  }
0xb5: {  	[dreg:$0x3] =	wrdreg s16  }
0xb6: {  	[dreg:$0x4] =	wrdreg $0x114000  }
0xb7: {  	[dreg:$0x5] =	wrdreg $0x9  }
0xb8: {  	_ =	task.clear_ibuf [dreg:s7], $0x6FFFF;
	_ =	strace $0x90000046  }
0xb9: {  	s29 =	simm.s32 $0x9;
	_ =	strace $0x80000048  }
0xba: {  	_ =	swait.ge [sflag:s29], $0x1  }
0xbb: {  	[sflag:s29] =	ssyncadd.s32 $0xFFFFFFFF  }
0xbc: {  	_ =	strace $0x90000048  }
0xbd: {  	_ =	sfence  }
0xbe: {  	s30 =	sld [smem:$0x0];
	_ =	sdelay $0x2  }
0xbf: {  	s31 =	sshll.u32 s1, $0xD;
	s1 =	sshrl.u32 s1, $0x2  }
0xc0: {  	s3 =	sand.u32 $0x4000, s31;
	s1 =	sadd.s32 s1, s30  }
0xc1: {  	s0 =	sor.u32 s3, s0;
	s1 =	sshll.u32 s1, $0x11  }
0xc2: {  	s0 =	sor.u32 s1, s0  }
0xc3: {  	s0 =	sadd.s32 $0x8F2B, s0  }
0xc4: {  	[sflag:s0] =	ssyncadd.remote.s32 $0x1  }
0xc5: {  	_ =	sfence.sel $0xFFFF  }
0xc6: {  	[dreg:$0x0] =	wrdreg $0xFFFFFFFF;
	(pc) =	sbr.abs _section_cstart, $3  }
0xc7: {  	[dreg:$0x1] =	wrdreg $0xFFFFFFFF  }
0xc8: {  	_ =	task.clear_ibuf [dreg:s7], $0x2FFFF;
	_ =	strace $0x9FFFFFFF  }
0xc9: {  	(tm) =	ssettm $0x7FFFFFFF  }
tec
execute0_lowered:
.L_overlay_start_1:
0x0: {  	(tag) =	ssettag $0x1  }
0x1: {  	s5 =	rddreg [dreg:$0x0]  }
0x2: {  	s0 =	rddreg [dreg:$0x1];
	s1 =	srdreg.scid  }
0x3: {  	s9 =	stileid.u32;
	s2 =	rddreg [dreg:$0x2];
	s3 =	simm.s32 $0x0  }
0x4: {  	s11 =	simm.s32 $0x1;
	s12 =	simm.s32 $0x1400;
	s13 =	simm.s32 $0x2  }
0x5: {  	s14 =	simm.s32 $0x9400;
	s15 =	simm.s32 $0x3;
	s16 =	simm.s32 $0x4  }
0x6: {  	s17 =	simm.s32 $0x0;
	s4 =	sand.u32 $0x1, s1;
	s1 =	rddreg [dreg:$0x3]  }
0x7: {  	s6 =	sshll.u32 s9, $0x1;
	[smem:$0x7FF] =	sst s3;
	p0 =	sne.s32 s9, $0x0  }
.Ltmp0:
0x8: {  	s6 =	sor.u32 s4, s6;
	s8 =	ssub.s32 $0x2, s4;
	(pc) =	sbr.rel .LBB2_1-.Ltmp0, $4  }
0x9: {  	s9 =	simm.s32 $0x5;
	s7 =	smul.u32 $0x280, s6;
	s10 =	sshrl.u32 s8, $0x1  }
0xa: {  	_ =	strace $0x80000047;
	s4 =	smul.u32 $0x50, s6;
	s8 =	ssub.s32 s8, s10  }
0xb: {  	s10 =	sshrl.u32 @!p0 s2, $0x3;
	s7 =	sadd.s32 s7, s5;
	s5 =	sadd.s32 $0x5400, s5  }
0xc: {  	s8 =	smax.u32 s8, $0x1;
	s6 =	sadd.s32 $0x400, s7;
	s7 =	sor.u32 $0x1, s4  }
.LBB2_70:
0xd: {  	_ =	swait.ge [sflag:s16], $0x8000  }
0xe: {  	[sflag:s16] =	ssyncset.done $0x0  }
0xf: {  	[sflag:s16] =	ssyncadd.s32 $0xFFFF8000  }
.LBB2_68:
0x10: {  	s17 =	sadd.s32 $0x1, s17  }
0x11: {  	p1 =	sne.s32 s17, s8  }
.Ltmp1:
0x12: {  	_ = 	snop;
	(pc) =	sbr.rel @!p1 .LBB2_69-.Ltmp1, $1  }
0x13: {  	_ =	sdelay $0x3  }
.LBB2_1:
0x14: {  	[tilespmem:s3], [sflag:$0x5] =	stream.linear.gather [hbm4b:s6+s3], $0x1400, $0x38;
	[tilespmem:$0x17C00] =	vst v63  }
0x15: {  	_ =	swait.ge [sflag:s9], $0x1400  }
0x16: {  	[sflag:s9] =	ssyncset.done $0x0  }
0x17: {  	s18 =	simm.s32 @!p0 $0x1C05;
	[sflag:s9] =	ssyncadd.s32 $0xFFFFEC00  }
0x18: {  	[spmem:s10], [sflag:s18] =	dma.local @!p0 [hbm:s5], $0xD000  }
0x19: {  	s18 =	simm.s32 @!p0 $0x5  }
0x1a: {  	_ =	swait.ge @!p0 [sflag:s18], $0xD000  }
0x1b: {  	[sflag:s18] =	ssyncset.done @!p0 $0x0  }
0x1c: {  	[sflag:s18] =	ssyncadd.s32 @!p0 $0xFFFF3000  }
0x1d: {  	[bflag:$0x0] =	sbarrier.arrive $0xFFFF  }
0x1e: {  	v0 =	vld [tilespmem:$0x0];
	_ =	sdelay $0x4  }
0x1f: {  	(v2sf) =	vpush v0, $0x0;
	_ =	sdelay $0xe  }
0x20: {  	s31 =	spop (v2sf)  }
0x21: {  	s19 =	sshll.u32 s31, $0xC  }
0x22: {  	s18 =	sshll.u32 s31, $0x7;
	s19 =	sand.u32 $0xFFFF8000, s19  }
0x23: {  	s18 =	sand.u32 $0x380, s18;
	s19 =	sadd.s32 s19, s2  }
0x24: {  	s18 =	sadd.s32 s18, s19  }
0x25: {  	s21 =	simm.s32 $0x1400;
	s19 =	simm.s32 $0x1000;
	s20 =	sadd.s32 $0x0, s18  }
.LBB2_2:
0x26: {  	[tilespmem:s21], [sflag:$0x1] =	stream.linear.gather [spmem:s20], $0x80, $0x38;
	[tilespmem:$0x17C00] =	vst v63  }
0x27: {  	s20 =	smov.u32 s19;
	p1 =	sne.s32 s19, $0x1F000  }
.Ltmp2:
0x28: {  	s19 =	sadd.s32 $0x1000, s19;
	(pc) =	sbr.rel @p1 .LBB2_2-.Ltmp2, $3  }
0x29: {  	_ =	sdelay $0x1  }
0x2a: {  	s21 =	sshra.s32 s20, $0x2  }
0x2b: {  	s20 =	sadd.s32 s21, s18;
	s21 =	sadd.s32 $0x1400, s21  }
0x2c: {  	(v2sf) =	vpush v0, $0x1;
	_ =	sdelay $0xd  }
0x2d: {  	[tilespmem:s21], [sflag:$0x1] =	stream.linear.gather [spmem:s20], $0x80, $0x38;
	[tilespmem:$0x17C00] =	vst v63  }
0x2e: {  	s18 =	spop (v2sf)  }
0x2f: {  	s19 =	sshll.u32 s18, $0xC  }
0x30: {  	s18 =	sshll.u32 s18, $0x7;
	s19 =	sand.u32 $0xFFFF8000, s19  }
0x31: {  	s18 =	sand.u32 $0x380, s18;
	s19 =	sadd.s32 s19, s2  }
0x32: {  	s18 =	sadd.s32 s18, s19  }
0x33: {  	s21 =	simm.s32 $0x1480;
	s19 =	simm.s32 $0x1000;
	s20 =	sadd.s32 $0x0, s18  }
.LBB2_4:
0x34: {  	[tilespmem:s21], [sflag:$0x1] =	stream.linear.gather [spmem:s20], $0x80, $0x38;
	[tilespmem:$0x17C00] =	vst v63  }
0x35: {  	s20 =	smov.u32 s19;
	p1 =	sne.s32 s19, $0x1F000  }
.Ltmp3:
0x36: {  	s19 =	sadd.s32 $0x1000, s19;
	(pc) =	sbr.rel @p1 .LBB2_4-.Ltmp3, $3  }
0x37: {  	_ =	sdelay $0x1  }
0x38: {  	s21 =	sshra.s32 s20, $0x2  }
0x39: {  	s20 =	sadd.s32 s21, s18;
	s21 =	sadd.s32 $0x1480, s21  }
0x3a: {  	(v2sf) =	vpush v0, $0x2;
	_ =	sdelay $0xd  }
0x3b: {  	[tilespmem:s21], [sflag:$0x1] =	stream.linear.gather [spmem:s20], $0x80, $0x38;
	[tilespmem:$0x17C00] =	vst v63  }
0x3c: {  	s18 =	spop (v2sf)  }
0x3d: {  	s19 =	sshll.u32 s18, $0xC  }
0x3e: {  	s18 =	sshll.u32 s18, $0x7;
	s19 =	sand.u32 $0xFFFF8000, s19  }
0x3f: {  	s18 =	sand.u32 $0x380, s18;
	s19 =	sadd.s32 s19, s2  }
0x40: {  	s18 =	sadd.s32 s18, s19  }
0x41: {  	s21 =	simm.s32 $0x1500;
	s19 =	simm.s32 $0x1000;
	s20 =	sadd.s32 $0x0, s18  }
.LBB2_6:
0x42: {  	[tilespmem:s21], [sflag:$0x1] =	stream.linear.gather [spmem:s20], $0x80, $0x38;
	[tilespmem:$0x17C00] =	vst v63  }
0x43: {  	s20 =	smov.u32 s19;
	p1 =	sne.s32 s19, $0x1F000  }
.Ltmp4:
0x44: {  	s19 =	sadd.s32 $0x1000, s19;
	(pc) =	sbr.rel @p1 .LBB2_6-.Ltmp4, $3  }
0x45: {  	_ =	sdelay $0x1  }
0x46: {  	s21 =	sshra.s32 s20, $0x2  }
0x47: {  	s20 =	sadd.s32 s21, s18;
	s21 =	sadd.s32 $0x1500, s21  }
0x48: {  	(v2sf) =	vpush v0, $0x3;
	_ =	sdelay $0xd  }
0x49: {  	[tilespmem:s21], [sflag:$0x1] =	stream.linear.gather [spmem:s20], $0x80, $0x38;
	[tilespmem:$0x17C00] =	vst v63  }
0x4a: {  	s18 =	spop (v2sf)  }
0x4b: {  	s19 =	sshll.u32 s18, $0xC  }
0x4c: {  	s18 =	sshll.u32 s18, $0x7;
	s19 =	sand.u32 $0xFFFF8000, s19  }
0x4d: {  	s18 =	sand.u32 $0x380, s18;
	s19 =	sadd.s32 s19, s2  }
0x4e: {  	s18 =	sadd.s32 s18, s19  }
0x4f: {  	s21 =	simm.s32 $0x1580;
	s19 =	simm.s32 $0x1000;
	s20 =	sadd.s32 $0x0, s18  }
.LBB2_8:
0x50: {  	[tilespmem:s21], [sflag:$0x1] =	stream.linear.gather [spmem:s20], $0x80, $0x38;
	[tilespmem:$0x17C00] =	vst v63  }
0x51: {  	s20 =	smov.u32 s19;
	p1 =	sne.s32 s19, $0x1F000  }
.Ltmp5:
0x52: {  	s19 =	sadd.s32 $0x1000, s19;
	(pc) =	sbr.rel @p1 .LBB2_8-.Ltmp5, $3  }
0x53: {  	_ =	sdelay $0x1  }
0x54: {  	s21 =	sshra.s32 s20, $0x2  }
0x55: {  	s20 =	sadd.s32 s21, s18;
	s21 =	sadd.s32 $0x1580, s21  }
0x56: {  	(v2sf) =	vpush v0, $0x4;
	_ =	sdelay $0xd  }
0x57: {  	[tilespmem:s21], [sflag:$0x1] =	stream.linear.gather [spmem:s20], $0x80, $0x38;
	[tilespmem:$0x17C00] =	vst v63  }
0x58: {  	s18 =	spop (v2sf)  }
0x59: {  	s19 =	sshll.u32 s18, $0xC  }
0x5a: {  	s18 =	sshll.u32 s18, $0x7;
	s19 =	sand.u32 $0xFFFF8000, s19  }
0x5b: {  	s18 =	sand.u32 $0x380, s18;
	s19 =	sadd.s32 s19, s2  }
0x5c: {  	s18 =	sadd.s32 s18, s19  }
0x5d: {  	s21 =	simm.s32 $0x1600;
	s19 =	simm.s32 $0x1000;
	s20 =	sadd.s32 $0x0, s18  }
.LBB2_10:
0x5e: {  	[tilespmem:s21], [sflag:$0x1] =	stream.linear.gather [spmem:s20], $0x80, $0x38;
	[tilespmem:$0x17C00] =	vst v63  }
0x5f: {  	s20 =	smov.u32 s19;
	p1 =	sne.s32 s19, $0x1F000  }
.Ltmp6:
0x60: {  	s19 =	sadd.s32 $0x1000, s19;
	(pc) =	sbr.rel @p1 .LBB2_10-.Ltmp6, $3  }
0x61: {  	_ =	sdelay $0x1  }
0x62: {  	s21 =	sshra.s32 s20, $0x2  }
0x63: {  	s20 =	sadd.s32 s21, s18;
	s21 =	sadd.s32 $0x1600, s21  }
0x64: {  	(v2sf) =	vpush v0, $0x5;
	_ =	sdelay $0xd  }
0x65: {  	[tilespmem:s21], [sflag:$0x1] =	stream.linear.gather [spmem:s20], $0x80, $0x38;
	[tilespmem:$0x17C00] =	vst v63  }
0x66: {  	s18 =	spop (v2sf)  }
0x67: {  	s19 =	sshll.u32 s18, $0xC  }
0x68: {  	s18 =	sshll.u32 s18, $0x7;
	s19 =	sand.u32 $0xFFFF8000, s19  }
0x69: {  	s18 =	sand.u32 $0x380, s18;
	s19 =	sadd.s32 s19, s2  }
0x6a: {  	s18 =	sadd.s32 s18, s19  }
0x6b: {  	s21 =	simm.s32 $0x1680;
	s19 =	simm.s32 $0x1000;
	s20 =	sadd.s32 $0x0, s18  }
.LBB2_12:
0x6c: {  	[tilespmem:s21], [sflag:$0x1] =	stream.linear.gather [spmem:s20], $0x80, $0x38;
	[tilespmem:$0x17C00] =	vst v63  }
0x6d: {  	s20 =	smov.u32 s19;
	p1 =	sne.s32 s19, $0x1F000  }
.Ltmp7:
0x6e: {  	s19 =	sadd.s32 $0x1000, s19;
	(pc) =	sbr.rel @p1 .LBB2_12-.Ltmp7, $3  }
0x6f: {  	_ =	sdelay $0x1  }
0x70: {  	s21 =	sshra.s32 s20, $0x2  }
0x71: {  	s20 =	sadd.s32 s21, s18;
	s21 =	sadd.s32 $0x1680, s21  }
0x72: {  	(v2sf) =	vpush v0, $0x6;
	_ =	sdelay $0xd  }
0x73: {  	[tilespmem:s21], [sflag:$0x1] =	stream.linear.gather [spmem:s20], $0x80, $0x38;
	[tilespmem:$0x17C00] =	vst v63  }
0x74: {  	s18 =	spop (v2sf)  }
0x75: {  	s19 =	sshll.u32 s18, $0xC  }
0x76: {  	s18 =	sshll.u32 s18, $0x7;
	s19 =	sand.u32 $0xFFFF8000, s19  }
0x77: {  	s18 =	sand.u32 $0x380, s18;
	s19 =	sadd.s32 s19, s2  }
0x78: {  	s18 =	sadd.s32 s18, s19  }
0x79: {  	s21 =	simm.s32 $0x1700;
	s19 =	simm.s32 $0x1000;
	s20 =	sadd.s32 $0x0, s18  }
.LBB2_14:
0x7a: {  	[tilespmem:s21], [sflag:$0x1] =	stream.linear.gather [spmem:s20], $0x80, $0x38;
	[tilespmem:$0x17C00] =	vst v63  }
0x7b: {  	s20 =	smov.u32 s19;
	p1 =	sne.s32 s19, $0x1F000  }
.Ltmp8:
0x7c: {  	s19 =	sadd.s32 $0x1000, s19;
	(pc) =	sbr.rel @p1 .LBB2_14-.Ltmp8, $3  }
0x7d: {  	_ =	sdelay $0x1  }
0x7e: {  	s21 =	sshra.s32 s20, $0x2  }
0x7f: {  	s20 =	sadd.s32 s21, s18;
	s21 =	sadd.s32 $0x1700, s21  }
0x80: {  	(v2sf) =	vpush v0, $0x7;
	_ =	sdelay $0xd  }
0x81: {  	[tilespmem:s21], [sflag:$0x1] =	stream.linear.gather [spmem:s20], $0x80, $0x38;
	[tilespmem:$0x17C00] =	vst v63  }
0x82: {  	s18 =	spop (v2sf)  }
0x83: {  	s19 =	sshll.u32 s18, $0xC  }
0x84: {  	s18 =	sshll.u32 s18, $0x7;
	s19 =	sand.u32 $0xFFFF8000, s19  }
0x85: {  	s18 =	sand.u32 $0x380, s18;
	s19 =	sadd.s32 s19, s2  }
0x86: {  	s18 =	sadd.s32 s18, s19  }
0x87: {  	s21 =	simm.s32 $0x1780;
	s19 =	simm.s32 $0x1000;
	s20 =	sadd.s32 $0x0, s18  }
.LBB2_16:
0x88: {  	[tilespmem:s21], [sflag:$0x1] =	stream.linear.gather [spmem:s20], $0x80, $0x38;
	[tilespmem:$0x17C00] =	vst v63  }
0x89: {  	s20 =	smov.u32 s19;
	p1 =	sne.s32 s19, $0x1F000  }
.Ltmp9:
0x8a: {  	s19 =	sadd.s32 $0x1000, s19;
	(pc) =	sbr.rel @p1 .LBB2_16-.Ltmp9, $3  }
0x8b: {  	_ =	sdelay $0x1  }
0x8c: {  	s21 =	sshra.s32 s20, $0x2  }
0x8d: {  	s20 =	sadd.s32 s21, s18;
	s21 =	sadd.s32 $0x1780, s21  }
0x8e: {  	(v2sf) =	vpush v0, $0x8;
	_ =	sdelay $0xd  }
0x8f: {  	[tilespmem:s21], [sflag:$0x1] =	stream.linear.gather [spmem:s20], $0x80, $0x38;
	[tilespmem:$0x17C00] =	vst v63  }
0x90: {  	s18 =	spop (v2sf)  }
0x91: {  	s19 =	sshll.u32 s18, $0xC  }
0x92: {  	s18 =	sshll.u32 s18, $0x7;
	s19 =	sand.u32 $0xFFFF8000, s19  }
0x93: {  	s18 =	sand.u32 $0x380, s18;
	s19 =	sadd.s32 s19, s2  }
0x94: {  	s18 =	sadd.s32 s18, s19  }
0x95: {  	s21 =	simm.s32 $0x9400;
	s19 =	simm.s32 $0x1000;
	s20 =	sadd.s32 $0x0, s18  }
.LBB2_18:
0x96: {  	[tilespmem:s21], [sflag:$0x2] =	stream.linear.gather [spmem:s20], $0x80, $0x38;
	[tilespmem:$0x17C00] =	vst v63  }
0x97: {  	s20 =	smov.u32 s19;
	p1 =	sne.s32 s19, $0x1F000  }
.Ltmp10:
0x98: {  	s19 =	sadd.s32 $0x1000, s19;
	(pc) =	sbr.rel @p1 .LBB2_18-.Ltmp10, $3  }
0x99: {  	_ =	sdelay $0x1  }
0x9a: {  	s21 =	sshra.s32 s20, $0x2  }
0x9b: {  	s20 =	sadd.s32 s21, s18;
	s21 =	sadd.s32 $0x9400, s21  }
0x9c: {  	(v2sf) =	vpush v0, $0x9;
	_ =	sdelay $0xd  }
0x9d: {  	[tilespmem:s21], [sflag:$0x2] =	stream.linear.gather [spmem:s20], $0x80, $0x38;
	[tilespmem:$0x17C00] =	vst v63  }
0x9e: {  	s18 =	spop (v2sf)  }
0x9f: {  	s19 =	sshll.u32 s18, $0xC  }
0xa0: {  	s18 =	sshll.u32 s18, $0x7;
	s19 =	sand.u32 $0xFFFF8000, s19  }
0xa1: {  	s18 =	sand.u32 $0x380, s18;
	s19 =	sadd.s32 s19, s2  }
0xa2: {  	s18 =	sadd.s32 s18, s19  }
0xa3: {  	s21 =	simm.s32 $0x9480;
	s19 =	simm.s32 $0x1000;
	s20 =	sadd.s32 $0x0, s18  }
.LBB2_20:
0xa4: {  	[tilespmem:s21], [sflag:$0x2] =	stream.linear.gather [spmem:s20], $0x80, $0x38;
	[tilespmem:$0x17C00] =	vst v63  }
0xa5: {  	s20 =	smov.u32 s19;
	p1 =	sne.s32 s19, $0x1F000  }
.Ltmp11:
0xa6: {  	s19 =	sadd.s32 $0x1000, s19;
	(pc) =	sbr.rel @p1 .LBB2_20-.Ltmp11, $3  }
0xa7: {  	_ =	sdelay $0x1  }
0xa8: {  	s21 =	sshra.s32 s20, $0x2  }
0xa9: {  	s20 =	sadd.s32 s21, s18;
	s21 =	sadd.s32 $0x9480, s21  }
0xaa: {  	(v2sf) =	vpush v0, $0xA;
	_ =	sdelay $0xd  }
0xab: {  	[tilespmem:s21], [sflag:$0x2] =	stream.linear.gather [spmem:s20], $0x80, $0x38;
	[tilespmem:$0x17C00] =	vst v63  }
0xac: {  	s18 =	spop (v2sf)  }
0xad: {  	s19 =	sshll.u32 s18, $0xC  }
0xae: {  	s18 =	sshll.u32 s18, $0x7;
	s19 =	sand.u32 $0xFFFF8000, s19  }
0xaf: {  	s18 =	sand.u32 $0x380, s18;
	s19 =	sadd.s32 s19, s2  }
0xb0: {  	s18 =	sadd.s32 s18, s19  }
0xb1: {  	s21 =	simm.s32 $0x9500;
	s19 =	simm.s32 $0x1000;
	s20 =	sadd.s32 $0x0, s18  }
.LBB2_22:
0xb2: {  	[tilespmem:s21], [sflag:$0x2] =	stream.linear.gather [spmem:s20], $0x80, $0x38;
	[tilespmem:$0x17C00] =	vst v63  }
0xb3: {  	s20 =	smov.u32 s19;
	p1 =	sne.s32 s19, $0x1F000  }
.Ltmp12:
0xb4: {  	s19 =	sadd.s32 $0x1000, s19;
	(pc) =	sbr.rel @p1 .LBB2_22-.Ltmp12, $3  }
0xb5: {  	_ =	sdelay $0x1  }
0xb6: {  	s21 =	sshra.s32 s20, $0x2  }
0xb7: {  	s20 =	sadd.s32 s21, s18;
	s21 =	sadd.s32 $0x9500, s21  }
0xb8: {  	(v2sf) =	vpush v0, $0xB;
	_ =	sdelay $0xd  }
0xb9: {  	[tilespmem:s21], [sflag:$0x2] =	stream.linear.gather [spmem:s20], $0x80, $0x38;
	[tilespmem:$0x17C00] =	vst v63  }
0xba: {  	s18 =	spop (v2sf)  }
0xbb: {  	s19 =	sshll.u32 s18, $0xC  }
0xbc: {  	s18 =	sshll.u32 s18, $0x7;
	s19 =	sand.u32 $0xFFFF8000, s19  }
0xbd: {  	s18 =	sand.u32 $0x380, s18;
	s19 =	sadd.s32 s19, s2  }
0xbe: {  	s18 =	sadd.s32 s18, s19  }
0xbf: {  	s21 =	simm.s32 $0x9580;
	s19 =	simm.s32 $0x1000;
	s20 =	sadd.s32 $0x0, s18  }
.LBB2_24:
0xc0: {  	[tilespmem:s21], [sflag:$0x2] =	stream.linear.gather [spmem:s20], $0x80, $0x38;
	[tilespmem:$0x17C00] =	vst v63  }
0xc1: {  	s20 =	smov.u32 s19;
	p1 =	sne.s32 s19, $0x1F000  }
.Ltmp13:
0xc2: {  	s19 =	sadd.s32 $0x1000, s19;
	(pc) =	sbr.rel @p1 .LBB2_24-.Ltmp13, $3  }
0xc3: {  	_ =	sdelay $0x1  }
0xc4: {  	s21 =	sshra.s32 s20, $0x2  }
0xc5: {  	s20 =	sadd.s32 s21, s18;
	s21 =	sadd.s32 $0x9580, s21  }
0xc6: {  	(v2sf) =	vpush v0, $0xC;
	_ =	sdelay $0xd  }
0xc7: {  	[tilespmem:s21], [sflag:$0x2] =	stream.linear.gather [spmem:s20], $0x80, $0x38;
	[tilespmem:$0x17C00] =	vst v63  }
0xc8: {  	s18 =	spop (v2sf)  }
0xc9: {  	s19 =	sshll.u32 s18, $0xC  }
0xca: {  	s18 =	sshll.u32 s18, $0x7;
	s19 =	sand.u32 $0xFFFF8000, s19  }
0xcb: {  	s18 =	sand.u32 $0x380, s18;
	s19 =	sadd.s32 s19, s2  }
0xcc: {  	s18 =	sadd.s32 s18, s19  }
0xcd: {  	s21 =	simm.s32 $0x9600;
	s19 =	simm.s32 $0x1000;
	s20 =	sadd.s32 $0x0, s18  }
.LBB2_26:
0xce: {  	[tilespmem:s21], [sflag:$0x2] =	stream.linear.gather [spmem:s20], $0x80, $0x38;
	[tilespmem:$0x17C00] =	vst v63  }
0xcf: {  	s20 =	smov.u32 s19;
	p1 =	sne.s32 s19, $0x1F000  }
.Ltmp14:
0xd0: {  	s19 =	sadd.s32 $0x1000, s19;
	(pc) =	sbr.rel @p1 .LBB2_26-.Ltmp14, $3  }
0xd1: {  	_ =	sdelay $0x1  }
0xd2: {  	s21 =	sshra.s32 s20, $0x2  }
0xd3: {  	s20 =	sadd.s32 s21, s18;
	s21 =	sadd.s32 $0x9600, s21  }
0xd4: {  	(v2sf) =	vpush v0, $0xD;
	_ =	sdelay $0xd  }
0xd5: {  	[tilespmem:s21], [sflag:$0x2] =	stream.linear.gather [spmem:s20], $0x80, $0x38;
	[tilespmem:$0x17C00] =	vst v63  }
0xd6: {  	s18 =	spop (v2sf)  }
0xd7: {  	s19 =	sshll.u32 s18, $0xC  }
0xd8: {  	s18 =	sshll.u32 s18, $0x7;
	s19 =	sand.u32 $0xFFFF8000, s19  }
0xd9: {  	s18 =	sand.u32 $0x380, s18;
	s19 =	sadd.s32 s19, s2  }
0xda: {  	s18 =	sadd.s32 s18, s19  }
0xdb: {  	s21 =	simm.s32 $0x9680;
	s19 =	simm.s32 $0x1000;
	s20 =	sadd.s32 $0x0, s18  }
.LBB2_28:
0xdc: {  	[tilespmem:s21], [sflag:$0x2] =	stream.linear.gather [spmem:s20], $0x80, $0x38;
	[tilespmem:$0x17C00] =	vst v63  }
0xdd: {  	s20 =	smov.u32 s19;
	p1 =	sne.s32 s19, $0x1F000  }
.Ltmp15:
0xde: {  	s19 =	sadd.s32 $0x1000, s19;
	(pc) =	sbr.rel @p1 .LBB2_28-.Ltmp15, $3  }
0xdf: {  	_ =	sdelay $0x1  }
0xe0: {  	s21 =	sshra.s32 s20, $0x2  }
0xe1: {  	s20 =	sadd.s32 s21, s18;
	s21 =	sadd.s32 $0x9680, s21  }
0xe2: {  	(v2sf) =	vpush v0, $0xE;
	_ =	sdelay $0xd  }
0xe3: {  	[tilespmem:s21], [sflag:$0x2] =	stream.linear.gather [spmem:s20], $0x80, $0x38;
	[tilespmem:$0x17C00] =	vst v63  }
0xe4: {  	s18 =	spop (v2sf)  }
0xe5: {  	s19 =	sshll.u32 s18, $0xC  }
0xe6: {  	s18 =	sshll.u32 s18, $0x7;
	s19 =	sand.u32 $0xFFFF8000, s19  }
0xe7: {  	s18 =	sand.u32 $0x380, s18;
	s19 =	sadd.s32 s19, s2  }
0xe8: {  	s18 =	sadd.s32 s18, s19  }
0xe9: {  	s21 =	simm.s32 $0x9700;
	s19 =	simm.s32 $0x1000;
	s20 =	sadd.s32 $0x0, s18  }
.LBB2_30:
0xea: {  	[tilespmem:s21], [sflag:$0x2] =	stream.linear.gather [spmem:s20], $0x80, $0x38;
	[tilespmem:$0x17C00] =	vst v63  }
0xeb: {  	s20 =	smov.u32 s19;
	p1 =	sne.s32 s19, $0x1F000  }
.Ltmp16:
0xec: {  	s19 =	sadd.s32 $0x1000, s19;
	(pc) =	sbr.rel @p1 .LBB2_30-.Ltmp16, $3  }
0xed: {  	_ =	sdelay $0x1  }
0xee: {  	s21 =	sshra.s32 s20, $0x2  }
0xef: {  	s20 =	sadd.s32 s21, s18;
	s21 =	sadd.s32 $0x9700, s21  }
0xf0: {  	(v2sf) =	vpush v0, $0xF;
	_ =	sdelay $0xd  }
0xf1: {  	[tilespmem:s21], [sflag:$0x2] =	stream.linear.gather [spmem:s20], $0x80, $0x38;
	[tilespmem:$0x17C00] =	vst v63  }
0xf2: {  	s18 =	spop (v2sf)  }
0xf3: {  	s19 =	sshll.u32 s18, $0xC  }
0xf4: {  	s18 =	sshll.u32 s18, $0x7;
	s19 =	sand.u32 $0xFFFF8000, s19  }
0xf5: {  	s18 =	sand.u32 $0x380, s18;
	s19 =	sadd.s32 s19, s2  }
0xf6: {  	s20 =	simm.s32 $0x1000;
	s19 =	sadd.s32 s18, s19  }
0xf7: {  	s22 =	simm.s32 $0x9780;
	s18 =	simm.s32 $0x0;
	s21 =	sadd.s32 $0x0, s19  }
.LBB2_32:
0xf8: {  	[tilespmem:s22], [sflag:$0x2] =	stream.linear.gather [spmem:s21], $0x80, $0x38;
	[tilespmem:$0x17C00] =	vst v63  }
0xf9: {  	s21 =	smov.u32 s20;
	p1 =	sne.s32 s20, $0x1F000  }
.Ltmp17:
0xfa: {  	s20 =	sadd.s32 $0x1000, s20;
	(pc) =	sbr.rel @p1 .LBB2_32-.Ltmp17, $3  }
0xfb: {  	_ =	sdelay $0x1  }
0xfc: {  	s22 =	sshra.s32 s21, $0x2  }
0xfd: {  	s21 =	sadd.s32 s22, s19;
	s22 =	sadd.s32 $0x9780, s22  }
0xfe: {  	[tilespmem:s22], [sflag:$0x2] =	stream.linear.gather [spmem:s21], $0x80, $0x38;
	[tilespmem:$0x17C00] =	vst v63  }
.LBB2_34:
0xff: {  	s30 =	sshll.u32 s18, $0x1  }
0x100: {  	_ =	swait.ge [sflag:s11], $0x8000;
	s20 =	sadd.s32 s4, s30  }
0x101: {  	s19 =	smov.u32 s18;
	[sflag:s11] =	ssyncset.done $0x0;
	s20 =	sshll.u32 s20, $0xC  }
0x102: {  	s18 =	sadd.s32 s30, s7;
	[sflag:s11] =	ssyncadd.s32 $0xFFFF8000;
	s20 =	sadd.s32 s0, s20  }
0x103: {  	[hbm4b:s20+s3] =	stream.linear.scatter [tilespmem:s12], [sflag:$0x3], $0x8000, $0x38;
	[tilespmem:$0x17C00] =	vst v63  }
0x104: {  	s18 =	sshll.u32 s18, $0xC;
	_ =	swait.ge [sflag:s13], $0x8000  }
0x105: {  	s18 =	sand.u32 $0x1FFFF000, s18;
	[sflag:s13] =	ssyncset.done $0x0  }
0x106: {  	s18 =	sadd.s32 s0, s18;
	[sflag:s13] =	ssyncadd.s32 $0xFFFF8000  }
0x107: {  	[hbm4b:s18+s3] =	stream.linear.scatter [tilespmem:s14], [sflag:$0x4], $0x8000, $0x38;
	[tilespmem:$0x17C00] =	vst v63  }
0x108: {  	p1 =	seq.s32 s19, $0x27;
	s18 =	sadd.s32 $0x1, s19  }
.Ltmp18:
0x109: {  	s31 =	smin.u32 s18, $0x27;
	(pc) =	sbr.rel @p1 .LBB2_70-.Ltmp18, $4  }
0x10a: {  	s20 =	sshll.u32 s31, $0x7  }
0x10b: {  	v0 =	vld [tilespmem:s20+$0x0];
	_ =	swait.ge [sflag:s15], $0x8000  }
0x10c: {  	[sflag:s15] =	ssyncset.done $0x0  }
0x10d: {  	[sflag:s15] =	ssyncadd.s32 $0xFFFF8000  }
0x10e: {  	_ =	sdelay $0x1  }
0x10f: {  	(v2sf) =	vpush v0, $0x0;
	_ =	sdelay $0xe  }
0x110: {  	s19 =	spop (v2sf)  }
0x111: {  	s20 =	sshll.u32 s19, $0xC  }
0x112: {  	s19 =	sshll.u32 s19, $0x7;
	s20 =	sand.u32 $0xFFFF8000, s20  }
0x113: {  	s19 =	sand.u32 $0x380, s19;
	s20 =	sadd.s32 s20, s2  }
0x114: {  	s19 =	sadd.s32 s19, s20  }
0x115: {  	s22 =	simm.s32 $0x1400;
	s20 =	simm.s32 $0x1000;
	s21 =	sadd.s32 $0x0, s19  }
.LBB2_36:
0x116: {  	[tilespmem:s22], [sflag:$0x1] =	stream.linear.gather [spmem:s21], $0x80, $0x38;
	[tilespmem:$0x17C00] =	vst v63  }
0x117: {  	s21 =	smov.u32 s20;
	p1 =	sne.s32 s20, $0x1F000  }
.Ltmp19:
0x118: {  	s20 =	sadd.s32 $0x1000, s20;
	(pc) =	sbr.rel @p1 .LBB2_36-.Ltmp19, $3  }
0x119: {  	_ =	sdelay $0x1  }
0x11a: {  	s22 =	sshra.s32 s21, $0x2  }
0x11b: {  	s21 =	sadd.s32 s22, s19;
	s22 =	sadd.s32 $0x1400, s22  }
0x11c: {  	(v2sf) =	vpush v0, $0x1;
	_ =	sdelay $0xd  }
0x11d: {  	[tilespmem:s22], [sflag:$0x1] =	stream.linear.gather [spmem:s21], $0x80, $0x38;
	[tilespmem:$0x17C00] =	vst v63  }
0x11e: {  	s19 =	spop (v2sf)  }
0x11f: {  	s20 =	sshll.u32 s19, $0xC  }
0x120: {  	s19 =	sshll.u32 s19, $0x7;
	s20 =	sand.u32 $0xFFFF8000, s20  }
0x121: {  	s19 =	sand.u32 $0x380, s19;
	s20 =	sadd.s32 s20, s2  }
0x122: {  	s19 =	sadd.s32 s19, s20  }
0x123: {  	s22 =	simm.s32 $0x1480;
	s20 =	simm.s32 $0x1000;
	s21 =	sadd.s32 $0x0, s19  }
.LBB2_38:
0x124: {  	[tilespmem:s22], [sflag:$0x1] =	stream.linear.gather [spmem:s21], $0x80, $0x38;
	[tilespmem:$0x17C00] =	vst v63  }
0x125: {  	s21 =	smov.u32 s20;
	p1 =	sne.s32 s20, $0x1F000  }
.Ltmp20:
0x126: {  	s20 =	sadd.s32 $0x1000, s20;
	(pc) =	sbr.rel @p1 .LBB2_38-.Ltmp20, $3  }
0x127: {  	_ =	sdelay $0x1  }
0x128: {  	s22 =	sshra.s32 s21, $0x2  }
0x129: {  	s21 =	sadd.s32 s22, s19;
	s22 =	sadd.s32 $0x1480, s22  }
0x12a: {  	(v2sf) =	vpush v0, $0x2;
	_ =	sdelay $0xd  }
0x12b: {  	[tilespmem:s22], [sflag:$0x1] =	stream.linear.gather [spmem:s21], $0x80, $0x38;
	[tilespmem:$0x17C00] =	vst v63  }
0x12c: {  	s19 =	spop (v2sf)  }
0x12d: {  	s20 =	sshll.u32 s19, $0xC  }
0x12e: {  	s19 =	sshll.u32 s19, $0x7;
	s20 =	sand.u32 $0xFFFF8000, s20  }
0x12f: {  	s19 =	sand.u32 $0x380, s19;
	s20 =	sadd.s32 s20, s2  }
0x130: {  	s19 =	sadd.s32 s19, s20  }
0x131: {  	s22 =	simm.s32 $0x1500;
	s20 =	simm.s32 $0x1000;
	s21 =	sadd.s32 $0x0, s19  }
.LBB2_40:
0x132: {  	[tilespmem:s22], [sflag:$0x1] =	stream.linear.gather [spmem:s21], $0x80, $0x38;
	[tilespmem:$0x17C00] =	vst v63  }
0x133: {  	s21 =	smov.u32 s20;
	p1 =	sne.s32 s20, $0x1F000  }
.Ltmp21:
0x134: {  	s20 =	sadd.s32 $0x1000, s20;
	(pc) =	sbr.rel @p1 .LBB2_40-.Ltmp21, $3  }
0x135: {  	_ =	sdelay $0x1  }
0x136: {  	s22 =	sshra.s32 s21, $0x2  }
0x137: {  	s21 =	sadd.s32 s22, s19;
	s22 =	sadd.s32 $0x1500, s22  }
0x138: {  	(v2sf) =	vpush v0, $0x3;
	_ =	sdelay $0xd  }
0x139: {  	[tilespmem:s22], [sflag:$0x1] =	stream.linear.gather [spmem:s21], $0x80, $0x38;
	[tilespmem:$0x17C00] =	vst v63  }
0x13a: {  	s19 =	spop (v2sf)  }
0x13b: {  	s20 =	sshll.u32 s19, $0xC  }
0x13c: {  	s19 =	sshll.u32 s19, $0x7;
	s20 =	sand.u32 $0xFFFF8000, s20  }
0x13d: {  	s19 =	sand.u32 $0x380, s19;
	s20 =	sadd.s32 s20, s2  }
0x13e: {  	s19 =	sadd.s32 s19, s20  }
0x13f: {  	s22 =	simm.s32 $0x1580;
	s20 =	simm.s32 $0x1000;
	s21 =	sadd.s32 $0x0, s19  }
.LBB2_42:
0x140: {  	[tilespmem:s22], [sflag:$0x1] =	stream.linear.gather [spmem:s21], $0x80, $0x38;
	[tilespmem:$0x17C00] =	vst v63  }
0x141: {  	s21 =	smov.u32 s20;
	p1 =	sne.s32 s20, $0x1F000  }
.Ltmp22:
0x142: {  	s20 =	sadd.s32 $0x1000, s20;
	(pc) =	sbr.rel @p1 .LBB2_42-.Ltmp22, $3  }
0x143: {  	_ =	sdelay $0x1  }
0x144: {  	s22 =	sshra.s32 s21, $0x2  }
0x145: {  	s21 =	sadd.s32 s22, s19;
	s22 =	sadd.s32 $0x1580, s22  }
0x146: {  	(v2sf) =	vpush v0, $0x4;
	_ =	sdelay $0xd  }
0x147: {  	[tilespmem:s22], [sflag:$0x1] =	stream.linear.gather [spmem:s21], $0x80, $0x38;
	[tilespmem:$0x17C00] =	vst v63  }
0x148: {  	s19 =	spop (v2sf)  }
0x149: {  	s20 =	sshll.u32 s19, $0xC  }
0x14a: {  	s19 =	sshll.u32 s19, $0x7;
	s20 =	sand.u32 $0xFFFF8000, s20  }
0x14b: {  	s19 =	sand.u32 $0x380, s19;
	s20 =	sadd.s32 s20, s2  }
0x14c: {  	s19 =	sadd.s32 s19, s20  }
0x14d: {  	s22 =	simm.s32 $0x1600;
	s20 =	simm.s32 $0x1000;
	s21 =	sadd.s32 $0x0, s19  }
.LBB2_44:
0x14e: {  	[tilespmem:s22], [sflag:$0x1] =	stream.linear.gather [spmem:s21], $0x80, $0x38;
	[tilespmem:$0x17C00] =	vst v63  }
0x14f: {  	s21 =	smov.u32 s20;
	p1 =	sne.s32 s20, $0x1F000  }
.Ltmp23:
0x150: {  	s20 =	sadd.s32 $0x1000, s20;
	(pc) =	sbr.rel @p1 .LBB2_44-.Ltmp23, $3  }
0x151: {  	_ =	sdelay $0x1  }
0x152: {  	s22 =	sshra.s32 s21, $0x2  }
0x153: {  	s21 =	sadd.s32 s22, s19;
	s22 =	sadd.s32 $0x1600, s22  }
0x154: {  	(v2sf) =	vpush v0, $0x5;
	_ =	sdelay $0xd  }
0x155: {  	[tilespmem:s22], [sflag:$0x1] =	stream.linear.gather [spmem:s21], $0x80, $0x38;
	[tilespmem:$0x17C00] =	vst v63  }
0x156: {  	s19 =	spop (v2sf)  }
0x157: {  	s20 =	sshll.u32 s19, $0xC  }
0x158: {  	s19 =	sshll.u32 s19, $0x7;
	s20 =	sand.u32 $0xFFFF8000, s20  }
0x159: {  	s19 =	sand.u32 $0x380, s19;
	s20 =	sadd.s32 s20, s2  }
0x15a: {  	s19 =	sadd.s32 s19, s20  }
0x15b: {  	s22 =	simm.s32 $0x1680;
	s20 =	simm.s32 $0x1000;
	s21 =	sadd.s32 $0x0, s19  }
.LBB2_46:
0x15c: {  	[tilespmem:s22], [sflag:$0x1] =	stream.linear.gather [spmem:s21], $0x80, $0x38;
	[tilespmem:$0x17C00] =	vst v63  }
0x15d: {  	s21 =	smov.u32 s20;
	p1 =	sne.s32 s20, $0x1F000  }
.Ltmp24:
0x15e: {  	s20 =	sadd.s32 $0x1000, s20;
	(pc) =	sbr.rel @p1 .LBB2_46-.Ltmp24, $3  }
0x15f: {  	_ =	sdelay $0x1  }
0x160: {  	s22 =	sshra.s32 s21, $0x2  }
0x161: {  	s21 =	sadd.s32 s22, s19;
	s22 =	sadd.s32 $0x1680, s22  }
0x162: {  	(v2sf) =	vpush v0, $0x6;
	_ =	sdelay $0xd  }
0x163: {  	[tilespmem:s22], [sflag:$0x1] =	stream.linear.gather [spmem:s21], $0x80, $0x38;
	[tilespmem:$0x17C00] =	vst v63  }
0x164: {  	s19 =	spop (v2sf)  }
0x165: {  	s20 =	sshll.u32 s19, $0xC  }
0x166: {  	s19 =	sshll.u32 s19, $0x7;
	s20 =	sand.u32 $0xFFFF8000, s20  }
0x167: {  	s19 =	sand.u32 $0x380, s19;
	s20 =	sadd.s32 s20, s2  }
0x168: {  	s19 =	sadd.s32 s19, s20  }
0x169: {  	s22 =	simm.s32 $0x1700;
	s20 =	simm.s32 $0x1000;
	s21 =	sadd.s32 $0x0, s19  }
.LBB2_48:
0x16a: {  	[tilespmem:s22], [sflag:$0x1] =	stream.linear.gather [spmem:s21], $0x80, $0x38;
	[tilespmem:$0x17C00] =	vst v63  }
0x16b: {  	s21 =	smov.u32 s20;
	p1 =	sne.s32 s20, $0x1F000  }
.Ltmp25:
0x16c: {  	s20 =	sadd.s32 $0x1000, s20;
	(pc) =	sbr.rel @p1 .LBB2_48-.Ltmp25, $3  }
0x16d: {  	_ =	sdelay $0x1  }
0x16e: {  	s22 =	sshra.s32 s21, $0x2  }
0x16f: {  	s21 =	sadd.s32 s22, s19;
	s22 =	sadd.s32 $0x1700, s22  }
0x170: {  	(v2sf) =	vpush v0, $0x7;
	_ =	sdelay $0xd  }
0x171: {  	[tilespmem:s22], [sflag:$0x1] =	stream.linear.gather [spmem:s21], $0x80, $0x38;
	[tilespmem:$0x17C00] =	vst v63  }
0x172: {  	s19 =	spop (v2sf)  }
0x173: {  	s20 =	sshll.u32 s19, $0xC  }
0x174: {  	s19 =	sshll.u32 s19, $0x7;
	s20 =	sand.u32 $0xFFFF8000, s20  }
0x175: {  	s19 =	sand.u32 $0x380, s19;
	s20 =	sadd.s32 s20, s2  }
0x176: {  	s19 =	sadd.s32 s19, s20  }
0x177: {  	s22 =	simm.s32 $0x1780;
	s20 =	simm.s32 $0x1000;
	s21 =	sadd.s32 $0x0, s19  }
.LBB2_50:
0x178: {  	[tilespmem:s22], [sflag:$0x1] =	stream.linear.gather [spmem:s21], $0x80, $0x38;
	[tilespmem:$0x17C00] =	vst v63  }
0x179: {  	s21 =	smov.u32 s20;
	p1 =	sne.s32 s20, $0x1F000  }
.Ltmp26:
0x17a: {  	s20 =	sadd.s32 $0x1000, s20;
	(pc) =	sbr.rel @p1 .LBB2_50-.Ltmp26, $3  }
0x17b: {  	_ =	sdelay $0x1  }
0x17c: {  	s22 =	sshra.s32 s21, $0x2  }
0x17d: {  	s21 =	sadd.s32 s22, s19;
	s22 =	sadd.s32 $0x1780, s22  }
0x17e: {  	[tilespmem:s22], [sflag:$0x1] =	stream.linear.gather [spmem:s21], $0x80, $0x38;
	[tilespmem:$0x17C00] =	vst v63  }
0x17f: {  	_ =	swait.ge [sflag:s16], $0x8000  }
0x180: {  	(v2sf) =	vpush v0, $0x8;
	_ =	sdelay $0xe  }
0x181: {  	s19 =	spop (v2sf)  }
0x182: {  	s20 =	sshll.u32 s19, $0xC  }
0x183: {  	s19 =	sshll.u32 s19, $0x7;
	s20 =	sand.u32 $0xFFFF8000, s20  }
0x184: {  	s19 =	sand.u32 $0x380, s19;
	s20 =	sadd.s32 s20, s2  }
0x185: {  	s22 =	simm.s32 $0x9400;
	[sflag:s16] =	ssyncset.done $0x0;
	s19 =	sadd.s32 s19, s20  }
0x186: {  	[sflag:s16] =	ssyncadd.s32 $0xFFFF8000;
	s20 =	simm.s32 $0x1000;
	s21 =	sadd.s32 $0x0, s19  }
.LBB2_52:
0x187: {  	[tilespmem:s22], [sflag:$0x2] =	stream.linear.gather [spmem:s21], $0x80, $0x38;
	[tilespmem:$0x17C00] =	vst v63  }
0x188: {  	s21 =	smov.u32 s20;
	p1 =	sne.s32 s20, $0x1F000  }
.Ltmp27:
0x189: {  	s20 =	sadd.s32 $0x1000, s20;
	(pc) =	sbr.rel @p1 .LBB2_52-.Ltmp27, $3  }
0x18a: {  	_ =	sdelay $0x1  }
0x18b: {  	s22 =	sshra.s32 s21, $0x2  }
0x18c: {  	s21 =	sadd.s32 s22, s19;
	s22 =	sadd.s32 $0x9400, s22  }
0x18d: {  	(v2sf) =	vpush v0, $0x9;
	_ =	sdelay $0xd  }
0x18e: {  	[tilespmem:s22], [sflag:$0x2] =	stream.linear.gather [spmem:s21], $0x80, $0x38;
	[tilespmem:$0x17C00] =	vst v63  }
0x18f: {  	s19 =	spop (v2sf)  }
0x190: {  	s20 =	sshll.u32 s19, $0xC  }
0x191: {  	s19 =	sshll.u32 s19, $0x7;
	s20 =	sand.u32 $0xFFFF8000, s20  }
0x192: {  	s19 =	sand.u32 $0x380, s19;
	s20 =	sadd.s32 s20, s2  }
0x193: {  	s19 =	sadd.s32 s19, s20  }
0x194: {  	s22 =	simm.s32 $0x9480;
	s20 =	simm.s32 $0x1000;
	s21 =	sadd.s32 $0x0, s19  }
.LBB2_54:
0x195: {  	[tilespmem:s22], [sflag:$0x2] =	stream.linear.gather [spmem:s21], $0x80, $0x38;
	[tilespmem:$0x17C00] =	vst v63  }
0x196: {  	s21 =	smov.u32 s20;
	p1 =	sne.s32 s20, $0x1F000  }
.Ltmp28:
0x197: {  	s20 =	sadd.s32 $0x1000, s20;
	(pc) =	sbr.rel @p1 .LBB2_54-.Ltmp28, $3  }
0x198: {  	_ =	sdelay $0x1  }
0x199: {  	s22 =	sshra.s32 s21, $0x2  }
0x19a: {  	s21 =	sadd.s32 s22, s19;
	s22 =	sadd.s32 $0x9480, s22  }
0x19b: {  	(v2sf) =	vpush v0, $0xA;
	_ =	sdelay $0xd  }
0x19c: {  	[tilespmem:s22], [sflag:$0x2] =	stream.linear.gather [spmem:s21], $0x80, $0x38;
	[tilespmem:$0x17C00] =	vst v63  }
0x19d: {  	s19 =	spop (v2sf)  }
0x19e: {  	s20 =	sshll.u32 s19, $0xC  }
0x19f: {  	s19 =	sshll.u32 s19, $0x7;
	s20 =	sand.u32 $0xFFFF8000, s20  }
0x1a0: {  	s19 =	sand.u32 $0x380, s19;
	s20 =	sadd.s32 s20, s2  }
0x1a1: {  	s19 =	sadd.s32 s19, s20  }
0x1a2: {  	s22 =	simm.s32 $0x9500;
	s20 =	simm.s32 $0x1000;
	s21 =	sadd.s32 $0x0, s19  }
.LBB2_56:
0x1a3: {  	[tilespmem:s22], [sflag:$0x2] =	stream.linear.gather [spmem:s21], $0x80, $0x38;
	[tilespmem:$0x17C00] =	vst v63  }
0x1a4: {  	s21 =	smov.u32 s20;
	p1 =	sne.s32 s20, $0x1F000  }
.Ltmp29:
0x1a5: {  	s20 =	sadd.s32 $0x1000, s20;
	(pc) =	sbr.rel @p1 .LBB2_56-.Ltmp29, $3  }
0x1a6: {  	_ =	sdelay $0x1  }
0x1a7: {  	s22 =	sshra.s32 s21, $0x2  }
0x1a8: {  	s21 =	sadd.s32 s22, s19;
	s22 =	sadd.s32 $0x9500, s22  }
0x1a9: {  	(v2sf) =	vpush v0, $0xB;
	_ =	sdelay $0xd  }
0x1aa: {  	[tilespmem:s22], [sflag:$0x2] =	stream.linear.gather [spmem:s21], $0x80, $0x38;
	[tilespmem:$0x17C00] =	vst v63  }
0x1ab: {  	s19 =	spop (v2sf)  }
0x1ac: {  	s20 =	sshll.u32 s19, $0xC  }
0x1ad: {  	s19 =	sshll.u32 s19, $0x7;
	s20 =	sand.u32 $0xFFFF8000, s20  }
0x1ae: {  	s19 =	sand.u32 $0x380, s19;
	s20 =	sadd.s32 s20, s2  }
0x1af: {  	s19 =	sadd.s32 s19, s20  }
0x1b0: {  	s22 =	simm.s32 $0x9580;
	s20 =	simm.s32 $0x1000;
	s21 =	sadd.s32 $0x0, s19  }
.LBB2_58:
0x1b1: {  	[tilespmem:s22], [sflag:$0x2] =	stream.linear.gather [spmem:s21], $0x80, $0x38;
	[tilespmem:$0x17C00] =	vst v63  }
0x1b2: {  	s21 =	smov.u32 s20;
	p1 =	sne.s32 s20, $0x1F000  }
.Ltmp30:
0x1b3: {  	s20 =	sadd.s32 $0x1000, s20;
	(pc) =	sbr.rel @p1 .LBB2_58-.Ltmp30, $3  }
0x1b4: {  	_ =	sdelay $0x1  }
0x1b5: {  	s22 =	sshra.s32 s21, $0x2  }
0x1b6: {  	s21 =	sadd.s32 s22, s19;
	s22 =	sadd.s32 $0x9580, s22  }
0x1b7: {  	(v2sf) =	vpush v0, $0xC;
	_ =	sdelay $0xd  }
0x1b8: {  	[tilespmem:s22], [sflag:$0x2] =	stream.linear.gather [spmem:s21], $0x80, $0x38;
	[tilespmem:$0x17C00] =	vst v63  }
0x1b9: {  	s19 =	spop (v2sf)  }
0x1ba: {  	s20 =	sshll.u32 s19, $0xC  }
0x1bb: {  	s19 =	sshll.u32 s19, $0x7;
	s20 =	sand.u32 $0xFFFF8000, s20  }
0x1bc: {  	s19 =	sand.u32 $0x380, s19;
	s20 =	sadd.s32 s20, s2  }
0x1bd: {  	s19 =	sadd.s32 s19, s20  }
0x1be: {  	s22 =	simm.s32 $0x9600;
	s20 =	simm.s32 $0x1000;
	s21 =	sadd.s32 $0x0, s19  }
.LBB2_60:
0x1bf: {  	[tilespmem:s22], [sflag:$0x2] =	stream.linear.gather [spmem:s21], $0x80, $0x38;
	[tilespmem:$0x17C00] =	vst v63  }
0x1c0: {  	s21 =	smov.u32 s20;
	p1 =	sne.s32 s20, $0x1F000  }
.Ltmp31:
0x1c1: {  	s20 =	sadd.s32 $0x1000, s20;
	(pc) =	sbr.rel @p1 .LBB2_60-.Ltmp31, $3  }
0x1c2: {  	_ =	sdelay $0x1  }
0x1c3: {  	s22 =	sshra.s32 s21, $0x2  }
0x1c4: {  	s21 =	sadd.s32 s22, s19;
	s22 =	sadd.s32 $0x9600, s22  }
0x1c5: {  	(v2sf) =	vpush v0, $0xD;
	_ =	sdelay $0xd  }
0x1c6: {  	[tilespmem:s22], [sflag:$0x2] =	stream.linear.gather [spmem:s21], $0x80, $0x38;
	[tilespmem:$0x17C00] =	vst v63  }
0x1c7: {  	s19 =	spop (v2sf)  }
0x1c8: {  	s20 =	sshll.u32 s19, $0xC  }
0x1c9: {  	s19 =	sshll.u32 s19, $0x7;
	s20 =	sand.u32 $0xFFFF8000, s20  }
0x1ca: {  	s19 =	sand.u32 $0x380, s19;
	s20 =	sadd.s32 s20, s2  }
0x1cb: {  	s19 =	sadd.s32 s19, s20  }
0x1cc: {  	s22 =	simm.s32 $0x9680;
	s20 =	simm.s32 $0x1000;
	s21 =	sadd.s32 $0x0, s19  }
.LBB2_62:
0x1cd: {  	[tilespmem:s22], [sflag:$0x2] =	stream.linear.gather [spmem:s21], $0x80, $0x38;
	[tilespmem:$0x17C00] =	vst v63  }
0x1ce: {  	s21 =	smov.u32 s20;
	p1 =	sne.s32 s20, $0x1F000  }
.Ltmp32:
0x1cf: {  	s20 =	sadd.s32 $0x1000, s20;
	(pc) =	sbr.rel @p1 .LBB2_62-.Ltmp32, $3  }
0x1d0: {  	_ =	sdelay $0x1  }
0x1d1: {  	s22 =	sshra.s32 s21, $0x2  }
0x1d2: {  	s21 =	sadd.s32 s22, s19;
	s22 =	sadd.s32 $0x9680, s22  }
0x1d3: {  	(v2sf) =	vpush v0, $0xE;
	_ =	sdelay $0xd  }
0x1d4: {  	[tilespmem:s22], [sflag:$0x2] =	stream.linear.gather [spmem:s21], $0x80, $0x38;
	[tilespmem:$0x17C00] =	vst v63  }
0x1d5: {  	s19 =	spop (v2sf)  }
0x1d6: {  	s20 =	sshll.u32 s19, $0xC  }
0x1d7: {  	s19 =	sshll.u32 s19, $0x7;
	s20 =	sand.u32 $0xFFFF8000, s20  }
0x1d8: {  	s19 =	sand.u32 $0x380, s19;
	s20 =	sadd.s32 s20, s2  }
0x1d9: {  	s19 =	sadd.s32 s19, s20  }
0x1da: {  	s22 =	simm.s32 $0x9700;
	s20 =	simm.s32 $0x1000;
	s21 =	sadd.s32 $0x0, s19  }
.LBB2_64:
0x1db: {  	[tilespmem:s22], [sflag:$0x2] =	stream.linear.gather [spmem:s21], $0x80, $0x38;
	[tilespmem:$0x17C00] =	vst v63  }
0x1dc: {  	s21 =	smov.u32 s20;
	p1 =	sne.s32 s20, $0x1F000  }
.Ltmp33:
0x1dd: {  	s20 =	sadd.s32 $0x1000, s20;
	(pc) =	sbr.rel @p1 .LBB2_64-.Ltmp33, $3  }
0x1de: {  	_ =	sdelay $0x1  }
0x1df: {  	s22 =	sshra.s32 s21, $0x2  }
0x1e0: {  	s21 =	sadd.s32 s22, s19;
	s22 =	sadd.s32 $0x9700, s22  }
0x1e1: {  	(v2sf) =	vpush v0, $0xF;
	_ =	sdelay $0xd  }
0x1e2: {  	[tilespmem:s22], [sflag:$0x2] =	stream.linear.gather [spmem:s21], $0x80, $0x38;
	[tilespmem:$0x17C00] =	vst v63  }
0x1e3: {  	s19 =	spop (v2sf)  }
0x1e4: {  	s20 =	sshll.u32 s19, $0xC  }
0x1e5: {  	s19 =	sshll.u32 s19, $0x7;
	s20 =	sand.u32 $0xFFFF8000, s20  }
0x1e6: {  	s19 =	sand.u32 $0x380, s19;
	s20 =	sadd.s32 s20, s2  }
0x1e7: {  	s19 =	sadd.s32 s19, s20  }
0x1e8: {  	s22 =	simm.s32 $0x9780;
	s20 =	simm.s32 $0x1000;
	s21 =	sadd.s32 $0x0, s19  }
.LBB2_66:
0x1e9: {  	[tilespmem:s22], [sflag:$0x2] =	stream.linear.gather [spmem:s21], $0x80, $0x38;
	[tilespmem:$0x17C00] =	vst v63  }
0x1ea: {  	s21 =	smov.u32 s20;
	p1 =	seq.s32 s20, $0x1F000  }
.Ltmp34:
0x1eb: {  	s20 =	sadd.s32 $0x1000, s20;
	(pc) =	sbr.rel @!p1 .LBB2_66-.Ltmp34, $3  }
0x1ec: {  	_ =	sdelay $0x1  }
0x1ed: {  	s22 =	sshra.s32 s21, $0x2  }
0x1ee: {  	s21 =	sadd.s32 s22, s19;
	s22 =	sadd.s32 $0x9780, s22  }
0x1ef: {  	p1 =	sne.s32 s18, $0x28  }
.Ltmp35:
0x1f0: {  	_ = 	snop;
	(pc) =	sbr.rel @p1 .LBB2_34-.Ltmp35, $4  }
.Ltmp36:
0x1f1: {  	_ = 	snop;
	(pc) =	sbr.rel @!p1 .LBB2_68-.Ltmp36, $4  }
0x1f2: {  	_ = 	snop  }
0x1f3: {  	_ = 	snop  }
0x1f4: {  	[tilespmem:s22], [sflag:$0x2] =	stream.linear.gather [spmem:s21], $0x80, $0x38;
	[tilespmem:$0x17C00] =	vst v63  }
0x1f5: {  	_ = 	snop  }
.LBB2_69:
0x1f6: {  	_ =	sfence.sel $0x180000  }
0x1f7: {  	[bflag:$0x0] =	sbarrier.arrive $0xFFFF  }
0x1f8: {  	_ =	strace $0x90000047  }
0x1f9: {  	s0 =	sadd.s32 @!p0 $0x100000, s1;
	[bflag:$0x2] =	sbarrier.arrive $0xFFFF  }
0x1fa: {  	[sflag:s0] =	ssyncadd.tile.s32 @!p0 $0x1;
	_ =	shalt  }
.Lfunc_end2:
_tile_overlayer_lowered:
.L_overlay_start_2:
0x1fb: {  	(tag) =	ssettag $0x2  }
0x1fc: {  	s0 =	rddreg [dreg:$0x0];
	s2 =	stileid.u32  }
0x1fd: {  	s1 =	rddreg [dreg:$0x1];
	p0 =	sne.s32 s2, $0x0  }
0x1fe: {  	s3 =	rddreg [dreg:$0x2];
	[bflag:$0x3] =	sbarrier.arrive $0xFFFF;
	s2 =	simm.s32 @!p0 $0x1C05  }
0x1ff: {  	[timem:s3], [sflag:s2] =	dma.local @!p0 [hbm:s0], s1  }
0x200: {  	s0 =	simm.s32 @!p0 $0x5  }
0x201: {  	_ =	swait.ge @!p0 [sflag:s0], s1  }
0x202: {  	s1 =	ssub.s32 @!p0 $0x0, s1;
	[sflag:s0] =	ssyncset.done @!p0 $0x0  }
0x203: {  	[sflag:s0] =	ssyncadd.s32 @!p0 s1  }
0x204: {  	[bflag:$0x3] =	sbarrier.arrive $0xFFFF  }
0x205: {  	_ =	shalt  }

</sc_bundles>
